<compile_context>
chip_gen: v7x
topology: tpu7x:2x2x1
jax: 0.10.2.dev20260603
libtpu: 0.0.44.dev20260713+nightly
codegen_flags: <defaults>
</compile_context>

<pallas_src>
import dataclasses
import functools

import jax
import jax.numpy as jnp
from jax import lax
from jax.experimental import pallas as pl
from jax.experimental.pallas import tpu as pltpu
from jax.experimental.pallas import tpu_sc as plsc

N = 10000
NPAD = 10240
F_IN = 128
H = 64
C = 40
CP = 64
E = 320000
NW = 32
EPW = 10240
CH = 128
NCH = EPW // CH
EPAD = NW * EPW
TPS = 16
RPW = NPAD // TPS
DEGW = 16

_mesh = plsc.VectorSubcoreMesh(core_axis_name="c", subcore_axis_name="s")
_sc_params = pltpu.CompilerParams(use_tc_tiling_on_sc=False)
if "needs_layout_passes" in pltpu.CompilerParams.__dataclass_fields__:
    _sc_params = dataclasses.replace(_sc_params, needs_layout_passes=False)


def _fill_rows(buf, nrows, width, value, dtype=jnp.float32, lanes=16):
    v = jnp.full((lanes,), value, dtype)

    @pl.loop(0, nrows)
    def _(r):
        for cc in range(0, width, lanes):
            buf[r, pl.ds(cc, lanes)] = v


@functools.partial(
    pl.kernel,
    out_type=jax.ShapeDtypeStruct((2, 2, NPAD // 2), jnp.float32),
    mesh=_mesh,
    compiler_params=_sc_params,
    scratch_types=[
        pltpu.VMEM((NCH, CH), jnp.int32),
        pltpu.VMEM((CH, DEGW), jnp.float32),
        pltpu.VMEM((RPW, DEGW), jnp.float32),
        pltpu.VMEM((RPW // 2,), jnp.float32),
        pltpu.VMEM((RPW // 2,), jnp.float32),
        pltpu.VMEM_SHARED((NPAD, DEGW), jnp.float32),
        pltpu.SemaphoreType.DMA,
    ],
)
def _deg_kernel(edges_hbm, out_hbm, dst_v, ones_v, reg_v, cmp_lo, cmp_hi,
                acc_sh, sem):
    c = lax.axis_index("c")
    s = lax.axis_index("s")
    w = c * TPS + s
    pltpu.sync_copy(edges_hbm.at[1, w], dst_v)
    _fill_rows(ones_v, CH, DEGW, 0.0)

    @pl.loop(0, RPW // CH)
    def _(k):
        pltpu.sync_copy(ones_v, acc_sh.at[pl.ds(s * RPW + k * CH, CH)])

    _fill_rows(ones_v, CH, DEGW, 1.0)
    plsc.subcore_barrier()

    @pl.loop(0, NCH, step=8)
    def _(j):
        for k in range(8):
            pltpu.async_copy(ones_v, acc_sh.at[dst_v.at[j + k]], sem,
                             add=True)
        for k in range(8):
            pltpu.make_async_copy(ones_v, acc_sh.at[dst_v.at[j + k]],
                                  sem).wait()

    plsc.subcore_barrier()
    pltpu.sync_copy(acc_sh.at[pl.ds(s * RPW, RPW)], reg_v)
    lane = jnp.arange(16, dtype=jnp.int32)
    zero16 = jnp.zeros((16,), jnp.int32)

    @pl.loop(0, RPW // 32)
    def _(j):
        ve = plsc.load_gather(reg_v, [j * 32 + lane * 2, zero16])
        vo = plsc.load_gather(reg_v, [j * 32 + lane * 2 + 1, zero16])
        cmp_lo[pl.ds(j * 16, 16)] = ve
        cmp_hi[pl.ds(j * 16, 16)] = vo

    pltpu.sync_copy(cmp_lo, out_hbm.at[c, 0, pl.ds(s * (RPW // 2), RPW // 2)])
    pltpu.sync_copy(cmp_hi, out_hbm.at[c, 1, pl.ds(s * (RPW // 2), RPW // 2)])


def _make_agg(D):
    @functools.partial(
        pl.kernel,
        out_type=jax.ShapeDtypeStruct((2, NPAD, D), jnp.bfloat16),
        mesh=_mesh,
        compiler_params=_sc_params,
        scratch_types=[
            pltpu.VMEM((NCH, CH), jnp.int32),
            pltpu.VMEM((NCH, CH), jnp.int32),
            pltpu.VMEM((CH, D), jnp.bfloat16),
            pltpu.VMEM((CH, D), jnp.bfloat16),
            pltpu.VMEM_SHARED((NPAD, D), jnp.bfloat16),
            pltpu.VMEM_SHARED((NPAD, D), jnp.bfloat16),
            pltpu.SemaphoreType.DMA,
            pltpu.SemaphoreType.DMA,
            pltpu.SemaphoreType.DMA,
            pltpu.SemaphoreType.DMA,
        ],
    )
    def _agg(h_hbm, edges_hbm, out_hbm, src_v, dst_v, buf0, buf1,
             acc_sh, h_sh, g0, g1, s0, s1):
        c = lax.axis_index("c")
        s = lax.axis_index("s")
        w = c * TPS + s
        hst = pltpu.async_copy(h_hbm.at[pl.ds(s * RPW, RPW)],
                               h_sh.at[pl.ds(s * RPW, RPW)], g1)
        pltpu.sync_copy(edges_hbm.at[0, w], src_v)
        pltpu.sync_copy(edges_hbm.at[1, w], dst_v)
        _fill_rows(buf0, CH, D, 0.0, jnp.bfloat16, 32)

        @pl.loop(0, RPW // CH)
        def _(k):
            pltpu.sync_copy(buf0, acc_sh.at[pl.ds(s * RPW + k * CH, CH)])

        hst.wait()
        plsc.subcore_barrier()

        pltpu.async_copy(h_sh.at[src_v.at[0]], buf0, g0)

        @pl.loop(0, NCH, step=2)
        def _(j):
            pltpu.make_async_copy(h_sh.at[src_v.at[j]], buf0, g0).wait()
            sc0 = pltpu.async_copy(buf0, acc_sh.at[dst_v.at[j]], s0,
                                   add=True)
            gb1 = pltpu.async_copy(h_sh.at[src_v.at[j + 1]], buf1, g1)
            sc0.wait()
            gb1.wait()
            sc1 = pltpu.async_copy(buf1, acc_sh.at[dst_v.at[j + 1]], s1,
                                   add=True)

            @pl.when(j + 2 < NCH)
            def _():
                pltpu.async_copy(h_sh.at[src_v.at[j + 2]], buf0, g0)

            sc1.wait()

        plsc.subcore_barrier()
        pltpu.sync_copy(acc_sh.at[pl.ds(s * RPW, RPW)],
                        out_hbm.at[c, pl.ds(s * RPW, RPW)])

    return _agg


_agg = _make_agg(H)


RB = 1024


def _dinvp(degp_ref):
    deg = degp_ref[0] + degp_ref[1] + 1.0
    dinv = lax.rsqrt(deg)
    lo = jnp.broadcast_to(dinv[0][:, None], (RB // 2, H))
    hi = jnp.broadcast_to(dinv[1][:, None], (RB // 2, H))
    return jnp.concatenate([lo, hi], axis=1)


def _tc_mm1(x_ref, w1_ref, o_ref):
    o_ref[...] = jnp.dot(x_ref[...], w1_ref[...],
                         preferred_element_type=jnp.float32)


def _tc_prep(e_ref, o_ref):
    e = e_ref[...].reshape(2, E // CH, CH)
    padrows = jnp.full((2, EPAD // CH - E // CH, CH), N, jnp.int32)
    e = jnp.concatenate([e, padrows], axis=1)
    e = jnp.where(e < NPAD // 2, 2 * e, 2 * e - (NPAD - 1))
    o_ref[...] = e.reshape(2, NW, NCH, CH)


def _tc_scale(degp_ref, hlo_ref, hhi_ref, o_ref):
    hq = jnp.concatenate([hlo_ref[...], hhi_ref[...]], axis=1)
    o_ref[...] = (_dinvp(degp_ref) * hq).astype(jnp.bfloat16)


def _psum(p_ref, hp_ref):
    return (p_ref[0].astype(jnp.float32) + p_ref[1].astype(jnp.float32)
            + hp_ref[...].astype(jnp.float32))


def _tc_mid(p_ref, hp_ref, degp_ref, w2_ref, b1_ref, o_ref):
    dp = _dinvp(degp_ref)
    a = jnp.maximum(dp * _psum(p_ref, hp_ref) + b1_ref[...], 0.0)
    h2 = jnp.dot(a, w2_ref[...], preferred_element_type=jnp.float32)
    o_ref[...] = (dp * h2).astype(jnp.bfloat16)


def _tc_out(p_ref, hp_ref, degp_ref, b2_ref, olo_ref, ohi_ref):
    o = _dinvp(degp_ref) * _psum(p_ref, hp_ref) + b2_ref[...]
    neg = jnp.float32(-3.0e38)
    for k, out_ref in ((0, olo_ref), (1, ohi_ref)):
        oh = o[:, k * H:(k + 1) * H]
        col = lax.broadcasted_iota(jnp.int32, oh.shape, 1)
        valid = col < C
        m = jnp.max(jnp.where(valid, oh, neg), axis=1, keepdims=True)
        ssum = jnp.sum(jnp.where(valid, jnp.exp(oh - m), 0.0), axis=1,
                       keepdims=True)
        out_ref[...] = (oh - m - jnp.log(ssum))[:, :C]


def _bs(shape, imap):
    return pl.BlockSpec(shape, imap)


def _row(i):
    return (i, 0)


def _whole(i):
    return (0, 0)


def _mm1_call(xp, W1):
    return pl.pallas_call(
        _tc_mm1,
        out_shape=jax.ShapeDtypeStruct((NPAD, H), jnp.float32),
        grid=(NPAD // RB,),
        in_specs=[_bs((RB, F_IN), _row), _bs((F_IN, H), _whole)],
        out_specs=_bs((RB, H), _row),
    )(xp, W1)


_HB = NPAD // 2 // (RB // 2)


def _scale_call(degp, h1):
    return pl.pallas_call(
        _tc_scale,
        out_shape=jax.ShapeDtypeStruct((NPAD // 2, 128), jnp.bfloat16),
        grid=(NPAD // RB,),
        in_specs=[
            _bs((2, 2, RB // 2), lambda i: (0, 0, i)),
            _bs((RB // 2, H), _row),
            _bs((RB // 2, H), lambda i: (i + _HB, 0)),
        ],
        out_specs=_bs((RB // 2, 128), _row),
    )(degp, h1, h1)


def _mid_call(p1, h1p, degp, w2bd, b1q):
    return pl.pallas_call(
        _tc_mid,
        out_shape=jax.ShapeDtypeStruct((NPAD // 2, 128), jnp.bfloat16),
        grid=(NPAD // RB,),
        in_specs=[
            _bs((2, RB // 2, 128), lambda i: (0, i, 0)),
            _bs((RB // 2, 128), _row),
            _bs((2, 2, RB // 2), lambda i: (0, 0, i)),
            _bs((128, 128), _whole),
            _bs((1, 128), _whole),
        ],
        out_specs=_bs((RB // 2, 128), _row),
    )(p1, h1p, degp, w2bd, b1q)


def _out_call(p2, h2p, degp, b2q):
    return pl.pallas_call(
        _tc_out,
        out_shape=[
            jax.ShapeDtypeStruct((NPAD // 2, C), jnp.float32),
            jax.ShapeDtypeStruct((NPAD // 2, C), jnp.float32),
        ],
        grid=(NPAD // RB,),
        in_specs=[
            _bs((2, RB // 2, 128), lambda i: (0, i, 0)),
            _bs((RB // 2, 128), _row),
            _bs((2, 2, RB // 2), lambda i: (0, 0, i)),
            _bs((1, 128), _whole),
        ],
        out_specs=[_bs((RB // 2, C), _row), _bs((RB // 2, C), _row)],
    )(p2, h2p, degp, b2q)


def kernel(x, edge_index, W1, b1, W2, b2):
    edges = pl.pallas_call(
        _tc_prep,
        out_shape=jax.ShapeDtypeStruct((2, NW, NCH, CH), jnp.int32),
    )(edge_index.astype(jnp.int32))

    xp = jnp.pad(x, ((0, NPAD - N), (0, 0)))
    w2p = jnp.pad(W2, ((0, 0), (0, CP - C)))
    z64 = jnp.zeros((H, H), jnp.float32)
    w2bd = jnp.concatenate(
        [jnp.concatenate([w2p, z64], axis=1),
         jnp.concatenate([z64, w2p], axis=1)], axis=0)
    b1q = jnp.concatenate([b1, b1]).reshape(1, 128)
    b2p = jnp.pad(b2, (0, CP - C))
    b2q = jnp.concatenate([b2p, b2p]).reshape(1, 128)

    degp = _deg_kernel(edges)
    h1 = _mm1_call(xp, W1)
    h1p = _scale_call(degp, h1)
    p1 = _agg(h1p.reshape(NPAD, H), edges)
    h2p = _mid_call(p1.reshape(2, NPAD // 2, 128), h1p, degp, w2bd, b1q)
    p2 = _agg(h2p.reshape(NPAD, CP), edges)
    out_lo, out_hi = _out_call(p2.reshape(2, NPAD // 2, 128), h2p, degp,
                               b2q)
    return jnp.concatenate([out_lo, out_hi[:N - NPAD // 2]], axis=0)

# --- scband reference (transcript-rebuilt; emitter-appended) ---
"""Pipeline reference for scband-gcn-56375740727523 (READ-ONLY COPY).

The authoritative reference and input builder live on the scoring server;
editing this copy changes nothing except your own understanding.
"""

import jax, jax.numpy as jnp
import numpy as np

N = 10000
E = 320000
F_IN = 128
H = 64
C = 40


def setup_inputs(seed: int = 0) -> dict:
    key = jax.random.key(seed)
    k1, k2, k3, k4, k5, k6 = jax.random.split(key, 6)
    x = jax.random.normal(k1, (N, F_IN), dtype=jnp.float32)
    edge_index = jax.random.randint(k2, (2, E), 0, N, dtype=jnp.int32)
    W1 = jax.random.normal(k3, (F_IN, H), dtype=jnp.float32) * 0.05
    b1 = jnp.zeros((H,), dtype=jnp.float32)
    W2 = jax.random.normal(k4, (H, C), dtype=jnp.float32) * 0.05
    b2 = jnp.zeros((C,), dtype=jnp.float32)
    return {"x": x, "edge_index": edge_index, "W1": W1, "b1": b1, "W2": W2, "b2": b2}


def gcn_conv(x, edge_index, W, b):
    # Faithful PyG GCNConv: add self-loops, symmetric D^{-1/2} (A+I) D^{-1/2} normalization,
    # linear transform, scatter-add aggregation, bias.
    n = x.shape[0]
    src = edge_index[0]
    dst = edge_index[1]
    loop = jnp.arange(n, dtype=src.dtype)
    src = jnp.concatenate([src, loop])
    dst = jnp.concatenate([dst, loop])
    deg = jnp.zeros((n,), dtype=x.dtype).at[dst].add(1.0)
    dinv = jnp.where(deg > 0, deg ** -0.5, 0.0)
    norm = dinv[src] * dinv[dst]
    h = x @ W
    msg = h[src] * norm[:, None]
    out = jax.ops.segment_sum(msg, dst, num_segments=n)
    return out + b


def reference(x, edge_index, W1, b1, W2, b2):
    h = gcn_conv(x, edge_index, W1, b1)
    h = jax.nn.relu(h)
    # dropout is identity in eval mode (training=False)
    out = gcn_conv(h, edge_index, W2, b2)
    return jax.nn.log_softmax(out, axis=1)

if __name__ == "__main__":
    import jax
    _d = setup_inputs()
    print(jax.jit(kernel)(*tuple(_d.values())))

</pallas_src>

<mosaic_0001>
#map = affine_map<(d0, d1) -> (0, 0, 0, 0)>
#map1 = affine_map<(d0, d1) -> (0, 0, 0)>
module attributes {stable_mosaic.version = 14 : i64} {
  func.func @_deg_kernel(%arg0: i32, %arg1: i32, %arg2: memref<2x32x80x128xi32, #tpu.memory_space<hbm>>, %arg3: memref<2x2x5120xf32, #tpu.memory_space<hbm>>, %arg4: memref<80x128xi32, #tpu.memory_space<vmem>>, %arg5: memref<128x16xf32, #tpu.memory_space<vmem>>, %arg6: memref<640x16xf32, #tpu.memory_space<vmem>>, %arg7: memref<320xf32, #tpu.memory_space<vmem>>, %arg8: memref<320xf32, #tpu.memory_space<vmem>>, %arg9: memref<10240x16xf32, #tpu.memory_space<vmem_shared>>, %arg10: memref<!tpu.dma_semaphore, #tpu.memory_space<semaphore_mem>>) attributes {dimension_semantics = [#tpu.dimension_semantics<core_parallel>, #tpu.dimension_semantics<subcore_parallel>], iteration_bounds = array<i64: 2, 16>, scalar_prefetch = 0 : i64, scratch_operands = 7 : i64, tpu.core_type = #tpu.core_type<sc_vector_subcore>, window_params = [{transform_indices = #map}, {transform_indices = #map1}]} {
    %mul3A = arith.constant 16 : i32
    %mul3A_0 = arith.muli %arg0, %mul3A : i32
    %add3A = arith.addi %mul3A_0, %arg1 : i32
    %run_scoped3A = arith.constant 1 : i32
    "tpu.region"() ({
      %run_scoped3A_39 = tpu.sem_alloc : memref<!tpu.dma_semaphore, #tpu.memory_space<semaphore_mem>>
      %dma_start3A = arith.constant 0 : i32
      %dma_start3A_40 = arith.constant 0 : i32
      %dma_start3A_41 = tpu.memref_slice %arg2[%run_scoped3A, %add3A, %dma_start3A, %dma_start3A_40] : memref<2x32x80x128xi32, #tpu.memory_space<hbm>> -> memref<1x1x80x128xi32, #tpu.memory_space<hbm>>
      %dma_start3A_42 = tpu.memref_squeeze %dma_start3A_41 : memref<1x1x80x128xi32, #tpu.memory_space<hbm>> -> memref<80x128xi32, #tpu.memory_space<hbm>>
      %dma_start3A_43 = arith.constant 0 : i32
      %dma_start3A_44 = arith.constant 0 : i32
      %dma_start3A_45 = tpu.memref_slice %arg2[%run_scoped3A, %add3A, %dma_start3A_43, %dma_start3A_44] : memref<2x32x80x128xi32, #tpu.memory_space<hbm>> -> memref<1x1x80x128xi32, #tpu.memory_space<hbm>>
      %dma_start3A_46 = tpu.memref_squeeze %dma_start3A_45 : memref<1x1x80x128xi32, #tpu.memory_space<hbm>> -> memref<80x128xi32, #tpu.memory_space<hbm>>
      tpu.enqueue_dma source(%dma_start3A_46 : memref<80x128xi32, #tpu.memory_space<hbm>>) target(%arg4 : memref<80x128xi32, #tpu.memory_space<vmem>>) target_semaphore(%run_scoped3A_39 : memref<!tpu.dma_semaphore, #tpu.memory_space<semaphore_mem>>)
      %dma_wait3A = arith.constant 0 : i32
      %dma_wait3A_47 = arith.constant 0 : i32
      %dma_wait3A_48 = tpu.memref_slice %arg2[%run_scoped3A, %add3A, %dma_wait3A, %dma_wait3A_47] : memref<2x32x80x128xi32, #tpu.memory_space<hbm>> -> memref<1x1x80x128xi32, #tpu.memory_space<hbm>>
      %dma_wait3A_49 = tpu.memref_squeeze %dma_wait3A_48 : memref<1x1x80x128xi32, #tpu.memory_space<hbm>> -> memref<80x128xi32, #tpu.memory_space<hbm>>
      %dma_wait3A_50 = arith.constant 0 : i32
      %dma_wait3A_51 = arith.constant 0 : i32
      %dma_wait3A_52 = tpu.memref_slice %arg2[%run_scoped3A, %add3A, %dma_wait3A_50, %dma_wait3A_51] : memref<2x32x80x128xi32, #tpu.memory_space<hbm>> -> memref<1x1x80x128xi32, #tpu.memory_space<hbm>>
      %dma_wait3A_53 = tpu.memref_squeeze %dma_wait3A_52 : memref<1x1x80x128xi32, #tpu.memory_space<hbm>> -> memref<80x128xi32, #tpu.memory_space<hbm>>
      tpu.wait_dma2 semaphore(%run_scoped3A_39 : memref<!tpu.dma_semaphore, #tpu.memory_space<semaphore_mem>>) src(%dma_wait3A_53 : memref<80x128xi32, #tpu.memory_space<hbm>>) dst(%arg4 : memref<80x128xi32, #tpu.memory_space<vmem>>)
      tpu.yield
    }) : () -> ()
    %broadcast_in_dim3A = arith.constant 0.000000e+00 : f32
    %broadcast_in_dim3A_1 = vector.broadcast %broadcast_in_dim3A : f32 to vector<16xf32>
    %scan3A = arith.constant 0 : i32
    %scan3A_2 = arith.constant 128 : i32
    %scan3A_3 = arith.addi %scan3A, %scan3A_2 : i32
    %scan3A_4 = arith.constant 1 : i32
    scf.for %scan3A_39 = %scan3A to %scan3A_3 step %scan3A_4  : i32 {
      %mul3A_40 = arith.constant 1 : i32
      %mul3A_41 = arith.muli %scan3A_39, %mul3A_40 : i32
      %add3A_42 = arith.constant 0 : i32
      %add3A_43 = arith.addi %add3A_42, %mul3A_41 : i32
      %swap3A = arith.index_cast %add3A_43 : i32 to index
      %swap3A_44 = arith.constant 0 : index
      %swap3A_45 = tpu.vector_load %arg5[%swap3A, %swap3A_44] {strides = array<i32>} : memref<128x16xf32, #tpu.memory_space<vmem>>, vector<16xf32>,
      tpu.vector_store %arg5[%swap3A, %swap3A_44], %broadcast_in_dim3A_1 {strides = array<i32>} : memref<128x16xf32, #tpu.memory_space<vmem>>, vector<16xf32>,
    }
    %scan3A_5 = arith.constant 128 : i32
    %scan3A_6 = arith.constant 0 : i32
    %scan3A_7 = arith.constant 5 : i32
    %scan3A_8 = arith.addi %scan3A_6, %scan3A_7 : i32
    %scan3A_9 = arith.constant 1 : i32
    scf.for %scan3A_39 = %scan3A_6 to %scan3A_8 step %scan3A_9  : i32 {
      %mul3A_40 = arith.constant 1 : i32
      %mul3A_41 = arith.muli %scan3A_39, %mul3A_40 : i32
      %add3A_42 = arith.constant 0 : i32
      %add3A_43 = arith.addi %add3A_42, %mul3A_41 : i32
      %mul3A_44 = arith.constant 640 : i32
      %mul3A_45 = arith.muli %arg1, %mul3A_44 : i32
      %mul3A_46 = arith.constant 128 : i32
      %mul3A_47 = arith.muli %add3A_43, %mul3A_46 : i32
      %add3A_48 = arith.addi %mul3A_45, %mul3A_47 : i32
      "tpu.region"() ({
        %run_scoped3A_49 = tpu.sem_alloc : memref<!tpu.dma_semaphore, #tpu.memory_space<semaphore_mem>>
        %dma_start3A = arith.constant 0 : i32
        %dma_start3A_50 = tpu.memref_slice %arg9[%add3A_48, %dma_start3A] : memref<10240x16xf32, #tpu.memory_space<vmem_shared>> -> memref<128x16xf32, #tpu.memory_space<vmem_shared>>
        %dma_start3A_51 = arith.constant 0 : i32
        %dma_start3A_52 = tpu.memref_slice %arg9[%add3A_48, %dma_start3A_51] : memref<10240x16xf32, #tpu.memory_space<vmem_shared>> -> memref<128x16xf32, #tpu.memory_space<vmem_shared>>
        tpu.enqueue_dma source(%arg5 : memref<128x16xf32, #tpu.memory_space<vmem>>) target(%dma_start3A_52 : memref<128x16xf32, #tpu.memory_space<vmem_shared>>) target_semaphore(%run_scoped3A_49 : memref<!tpu.dma_semaphore, #tpu.memory_space<semaphore_mem>>)
        %dma_wait3A = arith.constant 0 : i32
        %dma_wait3A_53 = tpu.memref_slice %arg9[%add3A_48, %dma_wait3A] : memref<10240x16xf32, #tpu.memory_space<vmem_shared>> -> memref<128x16xf32, #tpu.memory_space<vmem_shared>>
        %dma_wait3A_54 = arith.constant 0 : i32
        %dma_wait3A_55 = tpu.memref_slice %arg9[%add3A_48, %dma_wait3A_54] : memref<10240x16xf32, #tpu.memory_space<vmem_shared>> -> memref<128x16xf32, #tpu.memory_space<vmem_shared>>
        tpu.wait_dma2 semaphore(%run_scoped3A_49 : memref<!tpu.dma_semaphore, #tpu.memory_space<semaphore_mem>>) src(%arg5 : memref<128x16xf32, #tpu.memory_space<vmem>>) dst(%dma_wait3A_55 : memref<128x16xf32, #tpu.memory_space<vmem_shared>>)
        tpu.yield
      }) : () -> ()
    }
    %scan3A_10 = arith.constant 5 : i32
    %broadcast_in_dim3A_11 = arith.constant 1.000000e+00 : f32
    %broadcast_in_dim3A_12 = vector.broadcast %broadcast_in_dim3A_11 : f32 to vector<16xf32>
    %scan3A_13 = arith.constant 0 : i32
    %scan3A_14 = arith.constant 128 : i32
    %scan3A_15 = arith.addi %scan3A_13, %scan3A_14 : i32
    %scan3A_16 = arith.constant 1 : i32
    scf.for %scan3A_39 = %scan3A_13 to %scan3A_15 step %scan3A_16  : i32 {
      %mul3A_40 = arith.constant 1 : i32
      %mul3A_41 = arith.muli %scan3A_39, %mul3A_40 : i32
      %add3A_42 = arith.constant 0 : i32
      %add3A_43 = arith.addi %add3A_42, %mul3A_41 : i32
      %swap3A = arith.index_cast %add3A_43 : i32 to index
      %swap3A_44 = arith.constant 0 : index
      %swap3A_45 = tpu.vector_load %arg5[%swap3A, %swap3A_44] {strides = array<i32>} : memref<128x16xf32, #tpu.memory_space<vmem>>, vector<16xf32>,
      tpu.vector_store %arg5[%swap3A, %swap3A_44], %broadcast_in_dim3A_12 {strides = array<i32>} : memref<128x16xf32, #tpu.memory_space<vmem>>, vector<16xf32>,
    }
    %scan3A_17 = arith.constant 128 : i32
    %barrier3A = arith.constant 0 : index
    tpu.barrier barrier_id(%barrier3A)
    %scan3A_18 = arith.constant 0 : i32
    %scan3A_19 = arith.constant 10 : i32
    %scan3A_20 = arith.addi %scan3A_18, %scan3A_19 : i32
    %scan3A_21 = arith.constant 1 : i32
    scf.for %scan3A_39 = %scan3A_18 to %scan3A_20 step %scan3A_21  : i32 {
      %mul3A_40 = arith.constant 8 : i32
      %mul3A_41 = arith.muli %scan3A_39, %mul3A_40 : i32
      %add3A_42 = arith.constant 0 : i32
      %add3A_43 = arith.addi %add3A_42, %mul3A_41 : i32
      %add3A_44 = arith.constant 0 : i32
      %add3A_45 = arith.addi %add3A_43, %add3A_44 : i32
      %dma_start3A = arith.constant 0 : i32
      %dma_start3A_46 = tpu.memref_slice %arg4[%add3A_45, %dma_start3A] : memref<80x128xi32, #tpu.memory_space<vmem>> -> memref<1x128xi32, #tpu.memory_space<vmem>>
      %dma_start3A_47 = tpu.memref_squeeze %dma_start3A_46 : memref<1x128xi32, #tpu.memory_space<vmem>> -> memref<128xi32, #tpu.memory_space<vmem>>
      %dma_start3A_48 = arith.constant 0 : i32
      %dma_start3A_49 = arith.constant 0 : i32
      %dma_start3A_50 = tpu.memref_slice %arg9[%dma_start3A_48, %dma_start3A_49] : memref<10240x16xf32, #tpu.memory_space<vmem_shared>> -> memref<10240x16xf32, #tpu.memory_space<vmem_shared>>
      tpu.enqueue_indirect_dma source(%arg5 : memref<128x16xf32, #tpu.memory_space<vmem>>) target(%dma_start3A_50 : memref<10240x16xf32, #tpu.memory_space<vmem_shared>>) offsets(%dma_start3A_47 : memref<128xi32, #tpu.memory_space<vmem>>) semaphore(%arg10 : memref<!tpu.dma_semaphore, #tpu.memory_space<semaphore_mem>>) {add = true}
      %add3A_51 = arith.constant 1 : i32
      %add3A_52 = arith.addi %add3A_43, %add3A_51 : i32
      %dma_start3A_53 = arith.constant 0 : i32
      %dma_start3A_54 = tpu.memref_slice %arg4[%add3A_52, %dma_start3A_53] : memref<80x128xi32, #tpu.memory_space<vmem>> -> memref<1x128xi32, #tpu.memory_space<vmem>>
      %dma_start3A_55 = tpu.memref_squeeze %dma_start3A_54 : memref<1x128xi32, #tpu.memory_space<vmem>> -> memref<128xi32, #tpu.memory_space<vmem>>
      %dma_start3A_56 = arith.constant 0 : i32
      %dma_start3A_57 = arith.constant 0 : i32
      %dma_start3A_58 = tpu.memref_slice %arg9[%dma_start3A_56, %dma_start3A_57] : memref<10240x16xf32, #tpu.memory_space<vmem_shared>> -> memref<10240x16xf32, #tpu.memory_space<vmem_shared>>
      tpu.enqueue_indirect_dma source(%arg5 : memref<128x16xf32, #tpu.memory_space<vmem>>) target(%dma_start3A_58 : memref<10240x16xf32, #tpu.memory_space<vmem_shared>>) offsets(%dma_start3A_55 : memref<128xi32, #tpu.memory_space<vmem>>) semaphore(%arg10 : memref<!tpu.dma_semaphore, #tpu.memory_space<semaphore_mem>>) {add = true}
      %add3A_59 = arith.constant 2 : i32
      %add3A_60 = arith.addi %add3A_43, %add3A_59 : i32
      %dma_start3A_61 = arith.constant 0 : i32
      %dma_start3A_62 = tpu.memref_slice %arg4[%add3A_60, %dma_start3A_61] : memref<80x128xi32, #tpu.memory_space<vmem>> -> memref<1x128xi32, #tpu.memory_space<vmem>>
      %dma_start3A_63 = tpu.memref_squeeze %dma_start3A_62 : memref<1x128xi32, #tpu.memory_space<vmem>> -> memref<128xi32, #tpu.memory_space<vmem>>
      %dma_start3A_64 = arith.constant 0 : i32
      %dma_start3A_65 = arith.constant 0 : i32
      %dma_start3A_66 = tpu.memref_slice %arg9[%dma_start3A_64, %dma_start3A_65] : memref<10240x16xf32, #tpu.memory_space<vmem_shared>> -> memref<10240x16xf32, #tpu.memory_space<vmem_shared>>
      tpu.enqueue_indirect_dma source(%arg5 : memref<128x16xf32, #tpu.memory_space<vmem>>) target(%dma_start3A_66 : memref<10240x16xf32, #tpu.memory_space<vmem_shared>>) offsets(%dma_start3A_63 : memref<128xi32, #tpu.memory_space<vmem>>) semaphore(%arg10 : memref<!tpu.dma_semaphore, #tpu.memory_space<semaphore_mem>>) {add = true}
      %add3A_67 = arith.constant 3 : i32
      %add3A_68 = arith.addi %add3A_43, %add3A_67 : i32
      %dma_start3A_69 = arith.constant 0 : i32
      %dma_start3A_70 = tpu.memref_slice %arg4[%add3A_68, %dma_start3A_69] : memref<80x128xi32, #tpu.memory_space<vmem>> -> memref<1x128xi32, #tpu.memory_space<vmem>>
      %dma_start3A_71 = tpu.memref_squeeze %dma_start3A_70 : memref<1x128xi32, #tpu.memory_space<vmem>> -> memref<128xi32, #tpu.memory_space<vmem>>
      %dma_start3A_72 = arith.constant 0 : i32
      %dma_start3A_73 = arith.constant 0 : i32
      %dma_start3A_74 = tpu.memref_slice %arg9[%dma_start3A_72, %dma_start3A_73] : memref<10240x16xf32, #tpu.memory_space<vmem_shared>> -> memref<10240x16xf32, #tpu.memory_space<vmem_shared>>
      tpu.enqueue_indirect_dma source(%arg5 : memref<128x16xf32, #tpu.memory_space<vmem>>) target(%dma_start3A_74 : memref<10240x16xf32, #tpu.memory_space<vmem_shared>>) offsets(%dma_start3A_71 : memref<128xi32, #tpu.memory_space<vmem>>) semaphore(%arg10 : memref<!tpu.dma_semaphore, #tpu.memory_space<semaphore_mem>>) {add = true}
      %add3A_75 = arith.constant 4 : i32
      %add3A_76 = arith.addi %add3A_43, %add3A_75 : i32
      %dma_start3A_77 = arith.constant 0 : i32
      %dma_start3A_78 = tpu.memref_slice %arg4[%add3A_76, %dma_start3A_77] : memref<80x128xi32, #tpu.memory_space<vmem>> -> memref<1x128xi32, #tpu.memory_space<vmem>>
      %dma_start3A_79 = tpu.memref_squeeze %dma_start3A_78 : memref<1x128xi32, #tpu.memory_space<vmem>> -> memref<128xi32, #tpu.memory_space<vmem>>
      %dma_start3A_80 = arith.constant 0 : i32
      %dma_start3A_81 = arith.constant 0 : i32
      %dma_start3A_82 = tpu.memref_slice %arg9[%dma_start3A_80, %dma_start3A_81] : memref<10240x16xf32, #tpu.memory_space<vmem_shared>> -> memref<10240x16xf32, #tpu.memory_space<vmem_shared>>
      tpu.enqueue_indirect_dma source(%arg5 : memref<128x16xf32, #tpu.memory_space<vmem>>) target(%dma_start3A_82 : memref<10240x16xf32, #tpu.memory_space<vmem_shared>>) offsets(%dma_start3A_79 : memref<128xi32, #tpu.memory_space<vmem>>) semaphore(%arg10 : memref<!tpu.dma_semaphore, #tpu.memory_space<semaphore_mem>>) {add = true}
      %add3A_83 = arith.constant 5 : i32
      %add3A_84 = arith.addi %add3A_43, %add3A_83 : i32
      %dma_start3A_85 = arith.constant 0 : i32
      %dma_start3A_86 = tpu.memref_slice %arg4[%add3A_84, %dma_start3A_85] : memref<80x128xi32, #tpu.memory_space<vmem>> -> memref<1x128xi32, #tpu.memory_space<vmem>>
      %dma_start3A_87 = tpu.memref_squeeze %dma_start3A_86 : memref<1x128xi32, #tpu.memory_space<vmem>> -> memref<128xi32, #tpu.memory_space<vmem>>
      %dma_start3A_88 = arith.constant 0 : i32
      %dma_start3A_89 = arith.constant 0 : i32
      %dma_start3A_90 = tpu.memref_slice %arg9[%dma_start3A_88, %dma_start3A_89] : memref<10240x16xf32, #tpu.memory_space<vmem_shared>> -> memref<10240x16xf32, #tpu.memory_space<vmem_shared>>
      tpu.enqueue_indirect_dma source(%arg5 : memref<128x16xf32, #tpu.memory_space<vmem>>) target(%dma_start3A_90 : memref<10240x16xf32, #tpu.memory_space<vmem_shared>>) offsets(%dma_start3A_87 : memref<128xi32, #tpu.memory_space<vmem>>) semaphore(%arg10 : memref<!tpu.dma_semaphore, #tpu.memory_space<semaphore_mem>>) {add = true}
      %add3A_91 = arith.constant 6 : i32
      %add3A_92 = arith.addi %add3A_43, %add3A_91 : i32
      %dma_start3A_93 = arith.constant 0 : i32
      %dma_start3A_94 = tpu.memref_slice %arg4[%add3A_92, %dma_start3A_93] : memref<80x128xi32, #tpu.memory_space<vmem>> -> memref<1x128xi32, #tpu.memory_space<vmem>>
      %dma_start3A_95 = tpu.memref_squeeze %dma_start3A_94 : memref<1x128xi32, #tpu.memory_space<vmem>> -> memref<128xi32, #tpu.memory_space<vmem>>
      %dma_start3A_96 = arith.constant 0 : i32
      %dma_start3A_97 = arith.constant 0 : i32
      %dma_start3A_98 = tpu.memref_slice %arg9[%dma_start3A_96, %dma_start3A_97] : memref<10240x16xf32, #tpu.memory_space<vmem_shared>> -> memref<10240x16xf32, #tpu.memory_space<vmem_shared>>
      tpu.enqueue_indirect_dma source(%arg5 : memref<128x16xf32, #tpu.memory_space<vmem>>) target(%dma_start3A_98 : memref<10240x16xf32, #tpu.memory_space<vmem_shared>>) offsets(%dma_start3A_95 : memref<128xi32, #tpu.memory_space<vmem>>) semaphore(%arg10 : memref<!tpu.dma_semaphore, #tpu.memory_space<semaphore_mem>>) {add = true}
      %add3A_99 = arith.constant 7 : i32
      %add3A_100 = arith.addi %add3A_43, %add3A_99 : i32
      %dma_start3A_101 = arith.constant 0 : i32
      %dma_start3A_102 = tpu.memref_slice %arg4[%add3A_100, %dma_start3A_101] : memref<80x128xi32, #tpu.memory_space<vmem>> -> memref<1x128xi32, #tpu.memory_space<vmem>>
      %dma_start3A_103 = tpu.memref_squeeze %dma_start3A_102 : memref<1x128xi32, #tpu.memory_space<vmem>> -> memref<128xi32, #tpu.memory_space<vmem>>
      %dma_start3A_104 = arith.constant 0 : i32
      %dma_start3A_105 = arith.constant 0 : i32
      %dma_start3A_106 = tpu.memref_slice %arg9[%dma_start3A_104, %dma_start3A_105] : memref<10240x16xf32, #tpu.memory_space<vmem_shared>> -> memref<10240x16xf32, #tpu.memory_space<vmem_shared>>
      tpu.enqueue_indirect_dma source(%arg5 : memref<128x16xf32, #tpu.memory_space<vmem>>) target(%dma_start3A_106 : memref<10240x16xf32, #tpu.memory_space<vmem_shared>>) offsets(%dma_start3A_103 : memref<128xi32, #tpu.memory_space<vmem>>) semaphore(%arg10 : memref<!tpu.dma_semaphore, #tpu.memory_space<semaphore_mem>>) {add = true}
      %add3A_107 = arith.constant 0 : i32
      %add3A_108 = arith.addi %add3A_43, %add3A_107 : i32
      %dma_wait3A = arith.constant 0 : i32
      %dma_wait3A_109 = tpu.memref_slice %arg4[%add3A_108, %dma_wait3A] : memref<80x128xi32, #tpu.memory_space<vmem>> -> memref<1x128xi32, #tpu.memory_space<vmem>>
      %dma_wait3A_110 = tpu.memref_squeeze %dma_wait3A_109 : memref<1x128xi32, #tpu.memory_space<vmem>> -> memref<128xi32, #tpu.memory_space<vmem>>
      %dma_wait3A_111 = arith.constant 0 : i32
      %dma_wait3A_112 = arith.constant 0 : i32
      %dma_wait3A_113 = tpu.memref_slice %arg9[%dma_wait3A_111, %dma_wait3A_112] : memref<10240x16xf32, #tpu.memory_space<vmem_shared>> -> memref<10240x16xf32, #tpu.memory_space<vmem_shared>>
      tpu.wait_indirect_dma semaphore(%arg10 : memref<!tpu.dma_semaphore, #tpu.memory_space<semaphore_mem>>) src(%arg5 : memref<128x16xf32, #tpu.memory_space<vmem>>) dst(%dma_wait3A_113 : memref<10240x16xf32, #tpu.memory_space<vmem_shared>>)
      %add3A_114 = arith.constant 1 : i32
      %add3A_115 = arith.addi %add3A_43, %add3A_114 : i32
      %dma_wait3A_116 = arith.constant 0 : i32
      %dma_wait3A_117 = tpu.memref_slice %arg4[%add3A_115, %dma_wait3A_116] : memref<80x128xi32, #tpu.memory_space<vmem>> -> memref<1x128xi32, #tpu.memory_space<vmem>>
      %dma_wait3A_118 = tpu.memref_squeeze %dma_wait3A_117 : memref<1x128xi32, #tpu.memory_space<vmem>> -> memref<128xi32, #tpu.memory_space<vmem>>
      %dma_wait3A_119 = arith.constant 0 : i32
      %dma_wait3A_120 = arith.constant 0 : i32
      %dma_wait3A_121 = tpu.memref_slice %arg9[%dma_wait3A_119, %dma_wait3A_120] : memref<10240x16xf32, #tpu.memory_space<vmem_shared>> -> memref<10240x16xf32, #tpu.memory_space<vmem_shared>>
      tpu.wait_indirect_dma semaphore(%arg10 : memref<!tpu.dma_semaphore, #tpu.memory_space<semaphore_mem>>) src(%arg5 : memref<128x16xf32, #tpu.memory_space<vmem>>) dst(%dma_wait3A_121 : memref<10240x16xf32, #tpu.memory_space<vmem_shared>>)
      %add3A_122 = arith.constant 2 : i32
      %add3A_123 = arith.addi %add3A_43, %add3A_122 : i32
      %dma_wait3A_124 = arith.constant 0 : i32
      %dma_wait3A_125 = tpu.memref_slice %arg4[%add3A_123, %dma_wait3A_124] : memref<80x128xi32, #tpu.memory_space<vmem>> -> memref<1x128xi32, #tpu.memory_space<vmem>>
      %dma_wait3A_126 = tpu.memref_squeeze %dma_wait3A_125 : memref<1x128xi32, #tpu.memory_space<vmem>> -> memref<128xi32, #tpu.memory_space<vmem>>
      %dma_wait3A_127 = arith.constant 0 : i32
      %dma_wait3A_128 = arith.constant 0 : i32
      %dma_wait3A_129 = tpu.memref_slice %arg9[%dma_wait3A_127, %dma_wait3A_128] : memref<10240x16xf32, #tpu.memory_space<vmem_shared>> -> memref<10240x16xf32, #tpu.memory_space<vmem_shared>>
      tpu.wait_indirect_dma semaphore(%arg10 : memref<!tpu.dma_semaphore, #tpu.memory_space<semaphore_mem>>) src(%arg5 : memref<128x16xf32, #tpu.memory_space<vmem>>) dst(%dma_wait3A_129 : memref<10240x16xf32, #tpu.memory_space<vmem_shared>>)
      %add3A_130 = arith.constant 3 : i32
      %add3A_131 = arith.addi %add3A_43, %add3A_130 : i32
      %dma_wait3A_132 = arith.constant 0 : i32
      %dma_wait3A_133 = tpu.memref_slice %arg4[%add3A_131, %dma_wait3A_132] : memref<80x128xi32, #tpu.memory_space<vmem>> -> memref<1x128xi32, #tpu.memory_space<vmem>>
      %dma_wait3A_134 = tpu.memref_squeeze %dma_wait3A_133 : memref<1x128xi32, #tpu.memory_space<vmem>> -> memref<128xi32, #tpu.memory_space<vmem>>
      %dma_wait3A_135 = arith.constant 0 : i32
      %dma_wait3A_136 = arith.constant 0 : i32
      %dma_wait3A_137 = tpu.memref_slice %arg9[%dma_wait3A_135, %dma_wait3A_136] : memref<10240x16xf32, #tpu.memory_space<vmem_shared>> -> memref<10240x16xf32, #tpu.memory_space<vmem_shared>>
      tpu.wait_indirect_dma semaphore(%arg10 : memref<!tpu.dma_semaphore, #tpu.memory_space<semaphore_mem>>) src(%arg5 : memref<128x16xf32, #tpu.memory_space<vmem>>) dst(%dma_wait3A_137 : memref<10240x16xf32, #tpu.memory_space<vmem_shared>>)
      %add3A_138 = arith.constant 4 : i32
      %add3A_139 = arith.addi %add3A_43, %add3A_138 : i32
      %dma_wait3A_140 = arith.constant 0 : i32
      %dma_wait3A_141 = tpu.memref_slice %arg4[%add3A_139, %dma_wait3A_140] : memref<80x128xi32, #tpu.memory_space<vmem>> -> memref<1x128xi32, #tpu.memory_space<vmem>>
      %dma_wait3A_142 = tpu.memref_squeeze %dma_wait3A_141 : memref<1x128xi32, #tpu.memory_space<vmem>> -> memref<128xi32, #tpu.memory_space<vmem>>
      %dma_wait3A_143 = arith.constant 0 : i32
      %dma_wait3A_144 = arith.constant 0 : i32
      %dma_wait3A_145 = tpu.memref_slice %arg9[%dma_wait3A_143, %dma_wait3A_144] : memref<10240x16xf32, #tpu.memory_space<vmem_shared>> -> memref<10240x16xf32, #tpu.memory_space<vmem_shared>>
      tpu.wait_indirect_dma semaphore(%arg10 : memref<!tpu.dma_semaphore, #tpu.memory_space<semaphore_mem>>) src(%arg5 : memref<128x16xf32, #tpu.memory_space<vmem>>) dst(%dma_wait3A_145 : memref<10240x16xf32, #tpu.memory_space<vmem_shared>>)
      %add3A_146 = arith.constant 5 : i32
      %add3A_147 = arith.addi %add3A_43, %add3A_146 : i32
      %dma_wait3A_148 = arith.constant 0 : i32
      %dma_wait3A_149 = tpu.memref_slice %arg4[%add3A_147, %dma_wait3A_148] : memref<80x128xi32, #tpu.memory_space<vmem>> -> memref<1x128xi32, #tpu.memory_space<vmem>>
      %dma_wait3A_150 = tpu.memref_squeeze %dma_wait3A_149 : memref<1x128xi32, #tpu.memory_space<vmem>> -> memref<128xi32, #tpu.memory_space<vmem>>
      %dma_wait3A_151 = arith.constant 0 : i32
      %dma_wait3A_152 = arith.constant 0 : i32
      %dma_wait3A_153 = tpu.memref_slice %arg9[%dma_wait3A_151, %dma_wait3A_152] : memref<10240x16xf32, #tpu.memory_space<vmem_shared>> -> memref<10240x16xf32, #tpu.memory_space<vmem_shared>>
      tpu.wait_indirect_dma semaphore(%arg10 : memref<!tpu.dma_semaphore, #tpu.memory_space<semaphore_mem>>) src(%arg5 : memref<128x16xf32, #tpu.memory_space<vmem>>) dst(%dma_wait3A_153 : memref<10240x16xf32, #tpu.memory_space<vmem_shared>>)
      %add3A_154 = arith.constant 6 : i32
      %add3A_155 = arith.addi %add3A_43, %add3A_154 : i32
      %dma_wait3A_156 = arith.constant 0 : i32
      %dma_wait3A_157 = tpu.memref_slice %arg4[%add3A_155, %dma_wait3A_156] : memref<80x128xi32, #tpu.memory_space<vmem>> -> memref<1x128xi32, #tpu.memory_space<vmem>>
      %dma_wait3A_158 = tpu.memref_squeeze %dma_wait3A_157 : memref<1x128xi32, #tpu.memory_space<vmem>> -> memref<128xi32, #tpu.memory_space<vmem>>
      %dma_wait3A_159 = arith.constant 0 : i32
      %dma_wait3A_160 = arith.constant 0 : i32
      %dma_wait3A_161 = tpu.memref_slice %arg9[%dma_wait3A_159, %dma_wait3A_160] : memref<10240x16xf32, #tpu.memory_space<vmem_shared>> -> memref<10240x16xf32, #tpu.memory_space<vmem_shared>>
      tpu.wait_indirect_dma semaphore(%arg10 : memref<!tpu.dma_semaphore, #tpu.memory_space<semaphore_mem>>) src(%arg5 : memref<128x16xf32, #tpu.memory_space<vmem>>) dst(%dma_wait3A_161 : memref<10240x16xf32, #tpu.memory_space<vmem_shared>>)
      %add3A_162 = arith.constant 7 : i32
      %add3A_163 = arith.addi %add3A_43, %add3A_162 : i32
      %dma_wait3A_164 = arith.constant 0 : i32
      %dma_wait3A_165 = tpu.memref_slice %arg4[%add3A_163, %dma_wait3A_164] : memref<80x128xi32, #tpu.memory_space<vmem>> -> memref<1x128xi32, #tpu.memory_space<vmem>>
      %dma_wait3A_166 = tpu.memref_squeeze %dma_wait3A_165 : memref<1x128xi32, #tpu.memory_space<vmem>> -> memref<128xi32, #tpu.memory_space<vmem>>
      %dma_wait3A_167 = arith.constant 0 : i32
      %dma_wait3A_168 = arith.constant 0 : i32
      %dma_wait3A_169 = tpu.memref_slice %arg9[%dma_wait3A_167, %dma_wait3A_168] : memref<10240x16xf32, #tpu.memory_space<vmem_shared>> -> memref<10240x16xf32, #tpu.memory_space<vmem_shared>>
      tpu.wait_indirect_dma semaphore(%arg10 : memref<!tpu.dma_semaphore, #tpu.memory_space<semaphore_mem>>) src(%arg5 : memref<128x16xf32, #tpu.memory_space<vmem>>) dst(%dma_wait3A_169 : memref<10240x16xf32, #tpu.memory_space<vmem_shared>>)
    }
    %scan3A_22 = arith.constant 10 : i32
    %barrier3A_23 = arith.constant 0 : index
    tpu.barrier barrier_id(%barrier3A_23)
    %mul3A_24 = arith.constant 640 : i32
    %mul3A_25 = arith.muli %arg1, %mul3A_24 : i32
    "tpu.region"() ({
      %run_scoped3A_39 = tpu.sem_alloc : memref<!tpu.dma_semaphore, #tpu.memory_space<semaphore_mem>>
      %dma_start3A = arith.constant 0 : i32
      %dma_start3A_40 = tpu.memref_slice %arg9[%mul3A_25, %dma_start3A] : memref<10240x16xf32, #tpu.memory_space<vmem_shared>> -> memref<640x16xf32, #tpu.memory_space<vmem_shared>>
      %dma_start3A_41 = arith.constant 0 : i32
      %dma_start3A_42 = tpu.memref_slice %arg9[%mul3A_25, %dma_start3A_41] : memref<10240x16xf32, #tpu.memory_space<vmem_shared>> -> memref<640x16xf32, #tpu.memory_space<vmem_shared>>
      tpu.enqueue_dma source(%dma_start3A_42 : memref<640x16xf32, #tpu.memory_space<vmem_shared>>) target(%arg6 : memref<640x16xf32, #tpu.memory_space<vmem>>) target_semaphore(%run_scoped3A_39 : memref<!tpu.dma_semaphore, #tpu.memory_space<semaphore_mem>>)
      %dma_wait3A = arith.constant 0 : i32
      %dma_wait3A_43 = tpu.memref_slice %arg9[%mul3A_25, %dma_wait3A] : memref<10240x16xf32, #tpu.memory_space<vmem_shared>> -> memref<640x16xf32, #tpu.memory_space<vmem_shared>>
      %dma_wait3A_44 = arith.constant 0 : i32
      %dma_wait3A_45 = tpu.memref_slice %arg9[%mul3A_25, %dma_wait3A_44] : memref<10240x16xf32, #tpu.memory_space<vmem_shared>> -> memref<640x16xf32, #tpu.memory_space<vmem_shared>>
      tpu.wait_dma2 semaphore(%run_scoped3A_39 : memref<!tpu.dma_semaphore, #tpu.memory_space<semaphore_mem>>) src(%dma_wait3A_45 : memref<640x16xf32, #tpu.memory_space<vmem_shared>>) dst(%arg6 : memref<640x16xf32, #tpu.memory_space<vmem>>)
      tpu.yield
    }) : () -> ()
    %iota3A = tpu.iota {dimensions = array<i32: 0>} : vector<16xi32>
    %broadcast_in_dim3A_26 = arith.constant 0 : i32
    %broadcast_in_dim3A_27 = vector.broadcast %broadcast_in_dim3A_26 : i32 to vector<16xi32>
    %scan3A_28 = arith.constant 0 : i32
    %scan3A_29 = arith.constant 20 : i32
    %scan3A_30 = arith.addi %scan3A_28, %scan3A_29 : i32
    %scan3A_31 = arith.constant 1 : i32
    scf.for %scan3A_39 = %scan3A_28 to %scan3A_30 step %scan3A_31  : i32 {
      %mul3A_40 = arith.constant 1 : i32
      %mul3A_41 = arith.muli %scan3A_39, %mul3A_40 : i32
      %add3A_42 = arith.constant 0 : i32
      %add3A_43 = arith.addi %add3A_42, %mul3A_41 : i32
      %mul3A_44 = arith.constant 32 : i32
      %mul3A_45 = arith.muli %add3A_43, %mul3A_44 : i32
      %mul3A_46 = arith.constant 2 : i32
      %mul3A_47 = vector.broadcast %mul3A_46 : i32 to vector<16xi32>
      %mul3A_48 = arith.muli %iota3A, %mul3A_47 : vector<16xi32>
      %add3A_49 = vector.broadcast %mul3A_45 : i32 to vector<16xi32>
      %add3A_50 = arith.addi %add3A_49, %mul3A_48 : vector<16xi32>
      %gather3A = tpu.vector_load_idx %arg6[%add3A_50, %broadcast_in_dim3A_27] : memref<640x16xf32, #tpu.memory_space<vmem>>[vector<16xi32>, vector<16xi32>], vector<16xf32>,
      %mul3A_51 = arith.constant 32 : i32
      %mul3A_52 = arith.muli %add3A_43, %mul3A_51 : i32
      %mul3A_53 = arith.constant 2 : i32
      %mul3A_54 = vector.broadcast %mul3A_53 : i32 to vector<16xi32>
      %mul3A_55 = arith.muli %iota3A, %mul3A_54 : vector<16xi32>
      %add3A_56 = vector.broadcast %mul3A_52 : i32 to vector<16xi32>
      %add3A_57 = arith.addi %add3A_56, %mul3A_55 : vector<16xi32>
      %add3A_58 = arith.constant 1 : i32
      %add3A_59 = vector.broadcast %add3A_58 : i32 to vector<16xi32>
      %add3A_60 = arith.addi %add3A_57, %add3A_59 : vector<16xi32>
      %gather3A_61 = tpu.vector_load_idx %arg6[%add3A_60, %broadcast_in_dim3A_27] : memref<640x16xf32, #tpu.memory_space<vmem>>[vector<16xi32>, vector<16xi32>], vector<16xf32>,
      %mul3A_62 = arith.constant 16 : i32
      %mul3A_63 = arith.muli %add3A_43, %mul3A_62 : i32
      %swap3A = arith.index_cast %mul3A_63 : i32 to index
      %swap3A_64 = tpu.vector_load %arg7[%swap3A] {strides = array<i32>} : memref<320xf32, #tpu.memory_space<vmem>>, vector<16xf32>,
      tpu.vector_store %arg7[%swap3A], %gather3A {strides = array<i32>} : memref<320xf32, #tpu.memory_space<vmem>>, vector<16xf32>,
      %mul3A_65 = arith.constant 16 : i32
      %mul3A_66 = arith.muli %add3A_43, %mul3A_65 : i32
      %swap3A_67 = arith.index_cast %mul3A_66 : i32 to index
      %swap3A_68 = tpu.vector_load %arg8[%swap3A_67] {strides = array<i32>} : memref<320xf32, #tpu.memory_space<vmem>>, vector<16xf32>,
      tpu.vector_store %arg8[%swap3A_67], %gather3A_61 {strides = array<i32>} : memref<320xf32, #tpu.memory_space<vmem>>, vector<16xf32>,
    }
    %scan3A_32 = arith.constant 20 : i32
    %mul3A_33 = arith.constant 320 : i32
    %mul3A_34 = arith.muli %arg1, %mul3A_33 : i32
    %run_scoped3A_35 = arith.constant 0 : i32
    "tpu.region"() ({
      %run_scoped3A_39 = tpu.sem_alloc : memref<!tpu.dma_semaphore, #tpu.memory_space<semaphore_mem>>
      %dma_start3A = tpu.memref_slice %arg3[%arg0, %run_scoped3A_35, %mul3A_34] : memref<2x2x5120xf32, #tpu.memory_space<hbm>> -> memref<1x1x320xf32, #tpu.memory_space<hbm>>
      %dma_start3A_40 = tpu.memref_squeeze %dma_start3A : memref<1x1x320xf32, #tpu.memory_space<hbm>> -> memref<320xf32, #tpu.memory_space<hbm>>
      %dma_start3A_41 = tpu.memref_slice %arg3[%arg0, %run_scoped3A_35, %mul3A_34] : memref<2x2x5120xf32, #tpu.memory_space<hbm>> -> memref<1x1x320xf32, #tpu.memory_space<hbm>>
      %dma_start3A_42 = tpu.memref_squeeze %dma_start3A_41 : memref<1x1x320xf32, #tpu.memory_space<hbm>> -> memref<320xf32, #tpu.memory_space<hbm>>
      tpu.enqueue_dma source(%arg7 : memref<320xf32, #tpu.memory_space<vmem>>) target(%dma_start3A_42 : memref<320xf32, #tpu.memory_space<hbm>>) target_semaphore(%run_scoped3A_39 : memref<!tpu.dma_semaphore, #tpu.memory_space<semaphore_mem>>)
      %dma_wait3A = tpu.memref_slice %arg3[%arg0, %run_scoped3A_35, %mul3A_34] : memref<2x2x5120xf32, #tpu.memory_space<hbm>> -> memref<1x1x320xf32, #tpu.memory_space<hbm>>
      %dma_wait3A_43 = tpu.memref_squeeze %dma_wait3A : memref<1x1x320xf32, #tpu.memory_space<hbm>> -> memref<320xf32, #tpu.memory_space<hbm>>
      %dma_wait3A_44 = tpu.memref_slice %arg3[%arg0, %run_scoped3A_35, %mul3A_34] : memref<2x2x5120xf32, #tpu.memory_space<hbm>> -> memref<1x1x320xf32, #tpu.memory_space<hbm>>
      %dma_wait3A_45 = tpu.memref_squeeze %dma_wait3A_44 : memref<1x1x320xf32, #tpu.memory_space<hbm>> -> memref<320xf32, #tpu.memory_space<hbm>>
      tpu.wait_dma2 semaphore(%run_scoped3A_39 : memref<!tpu.dma_semaphore, #tpu.memory_space<semaphore_mem>>) src(%arg7 : memref<320xf32, #tpu.memory_space<vmem>>) dst(%dma_wait3A_45 : memref<320xf32, #tpu.memory_space<hbm>>)
      tpu.yield
    }) : () -> ()
    %mul3A_36 = arith.constant 320 : i32
    %mul3A_37 = arith.muli %arg1, %mul3A_36 : i32
    %run_scoped3A_38 = arith.constant 1 : i32
    "tpu.region"() ({
      %run_scoped3A_39 = tpu.sem_alloc : memref<!tpu.dma_semaphore, #tpu.memory_space<semaphore_mem>>
      %dma_start3A = tpu.memref_slice %arg3[%arg0, %run_scoped3A_38, %mul3A_37] : memref<2x2x5120xf32, #tpu.memory_space<hbm>> -> memref<1x1x320xf32, #tpu.memory_space<hbm>>
      %dma_start3A_40 = tpu.memref_squeeze %dma_start3A : memref<1x1x320xf32, #tpu.memory_space<hbm>> -> memref<320xf32, #tpu.memory_space<hbm>>
      %dma_start3A_41 = tpu.memref_slice %arg3[%arg0, %run_scoped3A_38, %mul3A_37] : memref<2x2x5120xf32, #tpu.memory_space<hbm>> -> memref<1x1x320xf32, #tpu.memory_space<hbm>>
      %dma_start3A_42 = tpu.memref_squeeze %dma_start3A_41 : memref<1x1x320xf32, #tpu.memory_space<hbm>> -> memref<320xf32, #tpu.memory_space<hbm>>
      tpu.enqueue_dma source(%arg8 : memref<320xf32, #tpu.memory_space<vmem>>) target(%dma_start3A_42 : memref<320xf32, #tpu.memory_space<hbm>>) target_semaphore(%run_scoped3A_39 : memref<!tpu.dma_semaphore, #tpu.memory_space<semaphore_mem>>)
      %dma_wait3A = tpu.memref_slice %arg3[%arg0, %run_scoped3A_38, %mul3A_37] : memref<2x2x5120xf32, #tpu.memory_space<hbm>> -> memref<1x1x320xf32, #tpu.memory_space<hbm>>
      %dma_wait3A_43 = tpu.memref_squeeze %dma_wait3A : memref<1x1x320xf32, #tpu.memory_space<hbm>> -> memref<320xf32, #tpu.memory_space<hbm>>
      %dma_wait3A_44 = tpu.memref_slice %arg3[%arg0, %run_scoped3A_38, %mul3A_37] : memref<2x2x5120xf32, #tpu.memory_space<hbm>> -> memref<1x1x320xf32, #tpu.memory_space<hbm>>
      %dma_wait3A_45 = tpu.memref_squeeze %dma_wait3A_44 : memref<1x1x320xf32, #tpu.memory_space<hbm>> -> memref<320xf32, #tpu.memory_space<hbm>>
      tpu.wait_dma2 semaphore(%run_scoped3A_39 : memref<!tpu.dma_semaphore, #tpu.memory_space<semaphore_mem>>) src(%arg8 : memref<320xf32, #tpu.memory_space<vmem>>) dst(%dma_wait3A_45 : memref<320xf32, #tpu.memory_space<hbm>>)
      tpu.yield
    }) : () -> ()
    return
  }
}

#map = affine_map<(d0, d1) -> (0, 0)>
#map1 = affine_map<(d0, d1) -> (0, 0, 0, 0)>
#map2 = affine_map<(d0, d1) -> (0, 0, 0)>
module attributes {stable_mosaic.version = 14 : i64} {
  func.func @_agg(%arg0: i32, %arg1: i32, %arg2: memref<10240x64xbf16, #tpu.memory_space<hbm>>, %arg3: memref<2x32x80x128xi32, #tpu.memory_space<hbm>>, %arg4: memref<2x10240x64xbf16, #tpu.memory_space<hbm>>, %arg5: memref<80x128xi32, #tpu.memory_space<vmem>>, %arg6: memref<80x128xi32, #tpu.memory_space<vmem>>, %arg7: memref<128x64xbf16, #tpu.memory_space<vmem>>, %arg8: memref<128x64xbf16, #tpu.memory_space<vmem>>, %arg9: memref<10240x64xbf16, #tpu.memory_space<vmem_shared>>, %arg10: memref<10240x64xbf16, #tpu.memory_space<vmem_shared>>, %arg11: memref<!tpu.dma_semaphore, #tpu.memory_space<semaphore_mem>>, %arg12: memref<!tpu.dma_semaphore, #tpu.memory_space<semaphore_mem>>, %arg13: memref<!tpu.dma_semaphore, #tpu.memory_space<semaphore_mem>>, %arg14: memref<!tpu.dma_semaphore, #tpu.memory_space<semaphore_mem>>) attributes {dimension_semantics = [#tpu.dimension_semantics<core_parallel>, #tpu.dimension_semantics<subcore_parallel>], iteration_bounds = array<i64: 2, 16>, scalar_prefetch = 0 : i64, scratch_operands = 10 : i64, tpu.core_type = #tpu.core_type<sc_vector_subcore>, window_params = [{transform_indices = #map}, {transform_indices = #map1}, {transform_indices = #map2}]} {
    %mul3A = arith.constant 16 : i32
    %mul3A_0 = arith.muli %arg0, %mul3A : i32
    %add3A = arith.addi %mul3A_0, %arg1 : i32
    %mul3A_1 = arith.constant 640 : i32
    %mul3A_2 = arith.muli %arg1, %mul3A_1 : i32
    %mul3A_3 = arith.constant 640 : i32
    %mul3A_4 = arith.muli %arg1, %mul3A_3 : i32
    %dma_start3A = arith.constant 0 : i32
    %dma_start3A_5 = tpu.memref_slice %arg10[%mul3A_4, %dma_start3A] : memref<10240x64xbf16, #tpu.memory_space<vmem_shared>> -> memref<640x64xbf16, #tpu.memory_space<vmem_shared>>
    %dma_start3A_6 = arith.constant 0 : i32
    %dma_start3A_7 = tpu.memref_slice %arg2[%mul3A_2, %dma_start3A_6] : memref<10240x64xbf16, #tpu.memory_space<hbm>> -> memref<640x64xbf16, #tpu.memory_space<hbm>>
    tpu.enqueue_dma source(%dma_start3A_7 : memref<640x64xbf16, #tpu.memory_space<hbm>>) target(%dma_start3A_5 : memref<640x64xbf16, #tpu.memory_space<vmem_shared>>) target_semaphore(%arg12 : memref<!tpu.dma_semaphore, #tpu.memory_space<semaphore_mem>>)
    %run_scoped3A = arith.constant 0 : i32
    "tpu.region"() ({
      %run_scoped3A_39 = tpu.sem_alloc : memref<!tpu.dma_semaphore, #tpu.memory_space<semaphore_mem>>
      %dma_start3A_40 = arith.constant 0 : i32
      %dma_start3A_41 = arith.constant 0 : i32
      %dma_start3A_42 = tpu.memref_slice %arg3[%run_scoped3A, %add3A, %dma_start3A_40, %dma_start3A_41] : memref<2x32x80x128xi32, #tpu.memory_space<hbm>> -> memref<1x1x80x128xi32, #tpu.memory_space<hbm>>
      %dma_start3A_43 = tpu.memref_squeeze %dma_start3A_42 : memref<1x1x80x128xi32, #tpu.memory_space<hbm>> -> memref<80x128xi32, #tpu.memory_space<hbm>>
      %dma_start3A_44 = arith.constant 0 : i32
      %dma_start3A_45 = arith.constant 0 : i32
      %dma_start3A_46 = tpu.memref_slice %arg3[%run_scoped3A, %add3A, %dma_start3A_44, %dma_start3A_45] : memref<2x32x80x128xi32, #tpu.memory_space<hbm>> -> memref<1x1x80x128xi32, #tpu.memory_space<hbm>>
      %dma_start3A_47 = tpu.memref_squeeze %dma_start3A_46 : memref<1x1x80x128xi32, #tpu.memory_space<hbm>> -> memref<80x128xi32, #tpu.memory_space<hbm>>
      tpu.enqueue_dma source(%dma_start3A_47 : memref<80x128xi32, #tpu.memory_space<hbm>>) target(%arg5 : memref<80x128xi32, #tpu.memory_space<vmem>>) target_semaphore(%run_scoped3A_39 : memref<!tpu.dma_semaphore, #tpu.memory_space<semaphore_mem>>)
      %dma_wait3A_48 = arith.constant 0 : i32
      %dma_wait3A_49 = arith.constant 0 : i32
      %dma_wait3A_50 = tpu.memref_slice %arg3[%run_scoped3A, %add3A, %dma_wait3A_48, %dma_wait3A_49] : memref<2x32x80x128xi32, #tpu.memory_space<hbm>> -> memref<1x1x80x128xi32, #tpu.memory_space<hbm>>
      %dma_wait3A_51 = tpu.memref_squeeze %dma_wait3A_50 : memref<1x1x80x128xi32, #tpu.memory_space<hbm>> -> memref<80x128xi32, #tpu.memory_space<hbm>>
      %dma_wait3A_52 = arith.constant 0 : i32
      %dma_wait3A_53 = arith.constant 0 : i32
      %dma_wait3A_54 = tpu.memref_slice %arg3[%run_scoped3A, %add3A, %dma_wait3A_52, %dma_wait3A_53] : memref<2x32x80x128xi32, #tpu.memory_space<hbm>> -> memref<1x1x80x128xi32, #tpu.memory_space<hbm>>
      %dma_wait3A_55 = tpu.memref_squeeze %dma_wait3A_54 : memref<1x1x80x128xi32, #tpu.memory_space<hbm>> -> memref<80x128xi32, #tpu.memory_space<hbm>>
      tpu.wait_dma2 semaphore(%run_scoped3A_39 : memref<!tpu.dma_semaphore, #tpu.memory_space<semaphore_mem>>) src(%dma_wait3A_55 : memref<80x128xi32, #tpu.memory_space<hbm>>) dst(%arg5 : memref<80x128xi32, #tpu.memory_space<vmem>>)
      tpu.yield
    }) : () -> ()
    %run_scoped3A_8 = arith.constant 1 : i32
    "tpu.region"() ({
      %run_scoped3A_39 = tpu.sem_alloc : memref<!tpu.dma_semaphore, #tpu.memory_space<semaphore_mem>>
      %dma_start3A_40 = arith.constant 0 : i32
      %dma_start3A_41 = arith.constant 0 : i32
      %dma_start3A_42 = tpu.memref_slice %arg3[%run_scoped3A_8, %add3A, %dma_start3A_40, %dma_start3A_41] : memref<2x32x80x128xi32, #tpu.memory_space<hbm>> -> memref<1x1x80x128xi32, #tpu.memory_space<hbm>>
      %dma_start3A_43 = tpu.memref_squeeze %dma_start3A_42 : memref<1x1x80x128xi32, #tpu.memory_space<hbm>> -> memref<80x128xi32, #tpu.memory_space<hbm>>
      %dma_start3A_44 = arith.constant 0 : i32
      %dma_start3A_45 = arith.constant 0 : i32
      %dma_start3A_46 = tpu.memref_slice %arg3[%run_scoped3A_8, %add3A, %dma_start3A_44, %dma_start3A_45] : memref<2x32x80x128xi32, #tpu.memory_space<hbm>> -> memref<1x1x80x128xi32, #tpu.memory_space<hbm>>
      %dma_start3A_47 = tpu.memref_squeeze %dma_start3A_46 : memref<1x1x80x128xi32, #tpu.memory_space<hbm>> -> memref<80x128xi32, #tpu.memory_space<hbm>>
      tpu.enqueue_dma source(%dma_start3A_47 : memref<80x128xi32, #tpu.memory_space<hbm>>) target(%arg6 : memref<80x128xi32, #tpu.memory_space<vmem>>) target_semaphore(%run_scoped3A_39 : memref<!tpu.dma_semaphore, #tpu.memory_space<semaphore_mem>>)
      %dma_wait3A_48 = arith.constant 0 : i32
      %dma_wait3A_49 = arith.constant 0 : i32
      %dma_wait3A_50 = tpu.memref_slice %arg3[%run_scoped3A_8, %add3A, %dma_wait3A_48, %dma_wait3A_49] : memref<2x32x80x128xi32, #tpu.memory_space<hbm>> -> memref<1x1x80x128xi32, #tpu.memory_space<hbm>>
      %dma_wait3A_51 = tpu.memref_squeeze %dma_wait3A_50 : memref<1x1x80x128xi32, #tpu.memory_space<hbm>> -> memref<80x128xi32, #tpu.memory_space<hbm>>
      %dma_wait3A_52 = arith.constant 0 : i32
      %dma_wait3A_53 = arith.constant 0 : i32
      %dma_wait3A_54 = tpu.memref_slice %arg3[%run_scoped3A_8, %add3A, %dma_wait3A_52, %dma_wait3A_53] : memref<2x32x80x128xi32, #tpu.memory_space<hbm>> -> memref<1x1x80x128xi32, #tpu.memory_space<hbm>>
      %dma_wait3A_55 = tpu.memref_squeeze %dma_wait3A_54 : memref<1x1x80x128xi32, #tpu.memory_space<hbm>> -> memref<80x128xi32, #tpu.memory_space<hbm>>
      tpu.wait_dma2 semaphore(%run_scoped3A_39 : memref<!tpu.dma_semaphore, #tpu.memory_space<semaphore_mem>>) src(%dma_wait3A_55 : memref<80x128xi32, #tpu.memory_space<hbm>>) dst(%arg6 : memref<80x128xi32, #tpu.memory_space<vmem>>)
      tpu.yield
    }) : () -> ()
    %broadcast_in_dim3A = arith.constant 0.000000e+00 : bf16
    %broadcast_in_dim3A_9 = vector.broadcast %broadcast_in_dim3A : bf16 to vector<32xbf16>
    %scan3A = arith.constant 0 : i32
    %scan3A_10 = arith.constant 128 : i32
    %scan3A_11 = arith.addi %scan3A, %scan3A_10 : i32
    %scan3A_12 = arith.constant 1 : i32
    scf.for %scan3A_39 = %scan3A to %scan3A_11 step %scan3A_12  : i32 {
      %mul3A_40 = arith.constant 1 : i32
      %mul3A_41 = arith.muli %scan3A_39, %mul3A_40 : i32
      %add3A_42 = arith.constant 0 : i32
      %add3A_43 = arith.addi %add3A_42, %mul3A_41 : i32
      %swap3A = arith.index_cast %add3A_43 : i32 to index
      %swap3A_44 = arith.constant 0 : index
      %swap3A_45 = tpu.vector_load %arg7[%swap3A, %swap3A_44] {strides = array<i32>} : memref<128x64xbf16, #tpu.memory_space<vmem>>, vector<32xbf16>,
      tpu.vector_store %arg7[%swap3A, %swap3A_44], %broadcast_in_dim3A_9 {strides = array<i32>} : memref<128x64xbf16, #tpu.memory_space<vmem>>, vector<32xbf16>,
      %swap3A_46 = arith.index_cast %add3A_43 : i32 to index
      %swap3A_47 = arith.constant 32 : index
      %swap3A_48 = tpu.vector_load %arg7[%swap3A_46, %swap3A_47] {strides = array<i32>} : memref<128x64xbf16, #tpu.memory_space<vmem>>, vector<32xbf16>,
      tpu.vector_store %arg7[%swap3A_46, %swap3A_47], %broadcast_in_dim3A_9 {strides = array<i32>} : memref<128x64xbf16, #tpu.memory_space<vmem>>, vector<32xbf16>,
    }
    %scan3A_13 = arith.constant 128 : i32
    %scan3A_14 = arith.constant 0 : i32
    %scan3A_15 = arith.constant 5 : i32
    %scan3A_16 = arith.addi %scan3A_14, %scan3A_15 : i32
    %scan3A_17 = arith.constant 1 : i32
    scf.for %scan3A_39 = %scan3A_14 to %scan3A_16 step %scan3A_17  : i32 {
      %mul3A_40 = arith.constant 1 : i32
      %mul3A_41 = arith.muli %scan3A_39, %mul3A_40 : i32
      %add3A_42 = arith.constant 0 : i32
      %add3A_43 = arith.addi %add3A_42, %mul3A_41 : i32
      %mul3A_44 = arith.constant 640 : i32
      %mul3A_45 = arith.muli %arg1, %mul3A_44 : i32
      %mul3A_46 = arith.constant 128 : i32
      %mul3A_47 = arith.muli %add3A_43, %mul3A_46 : i32
      %add3A_48 = arith.addi %mul3A_45, %mul3A_47 : i32
      "tpu.region"() ({
        %run_scoped3A_49 = tpu.sem_alloc : memref<!tpu.dma_semaphore, #tpu.memory_space<semaphore_mem>>
        %dma_start3A_50 = arith.constant 0 : i32
        %dma_start3A_51 = tpu.memref_slice %arg9[%add3A_48, %dma_start3A_50] : memref<10240x64xbf16, #tpu.memory_space<vmem_shared>> -> memref<128x64xbf16, #tpu.memory_space<vmem_shared>>
        %dma_start3A_52 = arith.constant 0 : i32
        %dma_start3A_53 = tpu.memref_slice %arg9[%add3A_48, %dma_start3A_52] : memref<10240x64xbf16, #tpu.memory_space<vmem_shared>> -> memref<128x64xbf16, #tpu.memory_space<vmem_shared>>
        tpu.enqueue_dma source(%arg7 : memref<128x64xbf16, #tpu.memory_space<vmem>>) target(%dma_start3A_53 : memref<128x64xbf16, #tpu.memory_space<vmem_shared>>) target_semaphore(%run_scoped3A_49 : memref<!tpu.dma_semaphore, #tpu.memory_space<semaphore_mem>>)
        %dma_wait3A_54 = arith.constant 0 : i32
        %dma_wait3A_55 = tpu.memref_slice %arg9[%add3A_48, %dma_wait3A_54] : memref<10240x64xbf16, #tpu.memory_space<vmem_shared>> -> memref<128x64xbf16, #tpu.memory_space<vmem_shared>>
        %dma_wait3A_56 = arith.constant 0 : i32
        %dma_wait3A_57 = tpu.memref_slice %arg9[%add3A_48, %dma_wait3A_56] : memref<10240x64xbf16, #tpu.memory_space<vmem_shared>> -> memref<128x64xbf16, #tpu.memory_space<vmem_shared>>
        tpu.wait_dma2 semaphore(%run_scoped3A_49 : memref<!tpu.dma_semaphore, #tpu.memory_space<semaphore_mem>>) src(%arg7 : memref<128x64xbf16, #tpu.memory_space<vmem>>) dst(%dma_wait3A_57 : memref<128x64xbf16, #tpu.memory_space<vmem_shared>>)
        tpu.yield
      }) : () -> ()
    }
    %scan3A_18 = arith.constant 5 : i32
    %dma_wait3A = arith.constant 0 : i32
    %dma_wait3A_19 = tpu.memref_slice %arg10[%mul3A_4, %dma_wait3A] : memref<10240x64xbf16, #tpu.memory_space<vmem_shared>> -> memref<640x64xbf16, #tpu.memory_space<vmem_shared>>
    %dma_wait3A_20 = arith.constant 0 : i32
    %dma_wait3A_21 = tpu.memref_slice %arg2[%mul3A_2, %dma_wait3A_20] : memref<10240x64xbf16, #tpu.memory_space<hbm>> -> memref<640x64xbf16, #tpu.memory_space<hbm>>
    tpu.wait_dma2 semaphore(%arg12 : memref<!tpu.dma_semaphore, #tpu.memory_space<semaphore_mem>>) src(%dma_wait3A_21 : memref<640x64xbf16, #tpu.memory_space<hbm>>) dst(%dma_wait3A_19 : memref<640x64xbf16, #tpu.memory_space<vmem_shared>>)
    %barrier3A = arith.constant 0 : index
    tpu.barrier barrier_id(%barrier3A)
    %dma_start3A_22 = arith.constant 0 : i32
    %dma_start3A_23 = arith.constant 0 : i32
    %dma_start3A_24 = tpu.memref_slice %arg5[%dma_start3A_22, %dma_start3A_23] : memref<80x128xi32, #tpu.memory_space<vmem>> -> memref<1x128xi32, #tpu.memory_space<vmem>>
    %dma_start3A_25 = tpu.memref_squeeze %dma_start3A_24 : memref<1x128xi32, #tpu.memory_space<vmem>> -> memref<128xi32, #tpu.memory_space<vmem>>
    %dma_start3A_26 = arith.constant 0 : i32
    %dma_start3A_27 = arith.constant 0 : i32
    %dma_start3A_28 = tpu.memref_slice %arg10[%dma_start3A_26, %dma_start3A_27] : memref<10240x64xbf16, #tpu.memory_space<vmem_shared>> -> memref<10240x64xbf16, #tpu.memory_space<vmem_shared>>
    tpu.enqueue_indirect_dma source(%dma_start3A_28 : memref<10240x64xbf16, #tpu.memory_space<vmem_shared>>) target(%arg7 : memref<128x64xbf16, #tpu.memory_space<vmem>>) offsets(%dma_start3A_25 : memref<128xi32, #tpu.memory_space<vmem>>) semaphore(%arg11 : memref<!tpu.dma_semaphore, #tpu.memory_space<semaphore_mem>>)
    %scan3A_29 = arith.constant 0 : i32
    %scan3A_30 = arith.constant 40 : i32
    %scan3A_31 = arith.addi %scan3A_29, %scan3A_30 : i32
    %scan3A_32 = arith.constant 1 : i32
    scf.for %scan3A_39 = %scan3A_29 to %scan3A_31 step %scan3A_32  : i32 {
      %mul3A_40 = arith.constant 2 : i32
      %mul3A_41 = arith.muli %scan3A_39, %mul3A_40 : i32
      %add3A_42 = arith.constant 0 : i32
      %add3A_43 = arith.addi %add3A_42, %mul3A_41 : i32
      %dma_wait3A_44 = arith.constant 0 : i32
      %dma_wait3A_45 = tpu.memref_slice %arg5[%add3A_43, %dma_wait3A_44] : memref<80x128xi32, #tpu.memory_space<vmem>> -> memref<1x128xi32, #tpu.memory_space<vmem>>
      %dma_wait3A_46 = tpu.memref_squeeze %dma_wait3A_45 : memref<1x128xi32, #tpu.memory_space<vmem>> -> memref<128xi32, #tpu.memory_space<vmem>>
      %dma_wait3A_47 = arith.constant 0 : i32
      %dma_wait3A_48 = arith.constant 0 : i32
      %dma_wait3A_49 = tpu.memref_slice %arg10[%dma_wait3A_47, %dma_wait3A_48] : memref<10240x64xbf16, #tpu.memory_space<vmem_shared>> -> memref<10240x64xbf16, #tpu.memory_space<vmem_shared>>
      tpu.wait_indirect_dma semaphore(%arg11 : memref<!tpu.dma_semaphore, #tpu.memory_space<semaphore_mem>>) src(%dma_wait3A_49 : memref<10240x64xbf16, #tpu.memory_space<vmem_shared>>) dst(%arg7 : memref<128x64xbf16, #tpu.memory_space<vmem>>)
      %dma_start3A_50 = arith.constant 0 : i32
      %dma_start3A_51 = tpu.memref_slice %arg6[%add3A_43, %dma_start3A_50] : memref<80x128xi32, #tpu.memory_space<vmem>> -> memref<1x128xi32, #tpu.memory_space<vmem>>
      %dma_start3A_52 = tpu.memref_squeeze %dma_start3A_51 : memref<1x128xi32, #tpu.memory_space<vmem>> -> memref<128xi32, #tpu.memory_space<vmem>>
      %dma_start3A_53 = arith.constant 0 : i32
      %dma_start3A_54 = arith.constant 0 : i32
      %dma_start3A_55 = tpu.memref_slice %arg9[%dma_start3A_53, %dma_start3A_54] : memref<10240x64xbf16, #tpu.memory_space<vmem_shared>> -> memref<10240x64xbf16, #tpu.memory_space<vmem_shared>>
      tpu.enqueue_indirect_dma source(%arg7 : memref<128x64xbf16, #tpu.memory_space<vmem>>) target(%dma_start3A_55 : memref<10240x64xbf16, #tpu.memory_space<vmem_shared>>) offsets(%dma_start3A_52 : memref<128xi32, #tpu.memory_space<vmem>>) semaphore(%arg13 : memref<!tpu.dma_semaphore, #tpu.memory_space<semaphore_mem>>) {add = true}
      %add3A_56 = arith.constant 1 : i32
      %add3A_57 = arith.addi %add3A_43, %add3A_56 : i32
      %dma_start3A_58 = arith.constant 0 : i32
      %dma_start3A_59 = tpu.memref_slice %arg5[%add3A_57, %dma_start3A_58] : memref<80x128xi32, #tpu.memory_space<vmem>> -> memref<1x128xi32, #tpu.memory_space<vmem>>
      %dma_start3A_60 = tpu.memref_squeeze %dma_start3A_59 : memref<1x128xi32, #tpu.memory_space<vmem>> -> memref<128xi32, #tpu.memory_space<vmem>>
      %dma_start3A_61 = arith.constant 0 : i32
      %dma_start3A_62 = arith.constant 0 : i32
      %dma_start3A_63 = tpu.memref_slice %arg10[%dma_start3A_61, %dma_start3A_62] : memref<10240x64xbf16, #tpu.memory_space<vmem_shared>> -> memref<10240x64xbf16, #tpu.memory_space<vmem_shared>>
      tpu.enqueue_indirect_dma source(%dma_start3A_63 : memref<10240x64xbf16, #tpu.memory_space<vmem_shared>>) target(%arg8 : memref<128x64xbf16, #tpu.memory_space<vmem>>) offsets(%dma_start3A_60 : memref<128xi32, #tpu.memory_space<vmem>>) semaphore(%arg12 : memref<!tpu.dma_semaphore, #tpu.memory_space<semaphore_mem>>)
      %dma_wait3A_64 = arith.constant 0 : i32
      %dma_wait3A_65 = tpu.memref_slice %arg6[%add3A_43, %dma_wait3A_64] : memref<80x128xi32, #tpu.memory_space<vmem>> -> memref<1x128xi32, #tpu.memory_space<vmem>>
      %dma_wait3A_66 = tpu.memref_squeeze %dma_wait3A_65 : memref<1x128xi32, #tpu.memory_space<vmem>> -> memref<128xi32, #tpu.memory_space<vmem>>
      %dma_wait3A_67 = arith.constant 0 : i32
      %dma_wait3A_68 = arith.constant 0 : i32
      %dma_wait3A_69 = tpu.memref_slice %arg9[%dma_wait3A_67, %dma_wait3A_68] : memref<10240x64xbf16, #tpu.memory_space<vmem_shared>> -> memref<10240x64xbf16, #tpu.memory_space<vmem_shared>>
      tpu.wait_indirect_dma semaphore(%arg13 : memref<!tpu.dma_semaphore, #tpu.memory_space<semaphore_mem>>) src(%arg7 : memref<128x64xbf16, #tpu.memory_space<vmem>>) dst(%dma_wait3A_69 : memref<10240x64xbf16, #tpu.memory_space<vmem_shared>>)
      %dma_wait3A_70 = arith.constant 0 : i32
      %dma_wait3A_71 = tpu.memref_slice %arg5[%add3A_57, %dma_wait3A_70] : memref<80x128xi32, #tpu.memory_space<vmem>> -> memref<1x128xi32, #tpu.memory_space<vmem>>
      %dma_wait3A_72 = tpu.memref_squeeze %dma_wait3A_71 : memref<1x128xi32, #tpu.memory_space<vmem>> -> memref<128xi32, #tpu.memory_space<vmem>>
      %dma_wait3A_73 = arith.constant 0 : i32
      %dma_wait3A_74 = arith.constant 0 : i32
      %dma_wait3A_75 = tpu.memref_slice %arg10[%dma_wait3A_73, %dma_wait3A_74] : memref<10240x64xbf16, #tpu.memory_space<vmem_shared>> -> memref<10240x64xbf16, #tpu.memory_space<vmem_shared>>
      tpu.wait_indirect_dma semaphore(%arg12 : memref<!tpu.dma_semaphore, #tpu.memory_space<semaphore_mem>>) src(%dma_wait3A_75 : memref<10240x64xbf16, #tpu.memory_space<vmem_shared>>) dst(%arg8 : memref<128x64xbf16, #tpu.memory_space<vmem>>)
      %add3A_76 = arith.constant 1 : i32
      %add3A_77 = arith.addi %add3A_43, %add3A_76 : i32
      %dma_start3A_78 = arith.constant 0 : i32
      %dma_start3A_79 = tpu.memref_slice %arg6[%add3A_77, %dma_start3A_78] : memref<80x128xi32, #tpu.memory_space<vmem>> -> memref<1x128xi32, #tpu.memory_space<vmem>>
      %dma_start3A_80 = tpu.memref_squeeze %dma_start3A_79 : memref<1x128xi32, #tpu.memory_space<vmem>> -> memref<128xi32, #tpu.memory_space<vmem>>
      %dma_start3A_81 = arith.constant 0 : i32
      %dma_start3A_82 = arith.constant 0 : i32
      %dma_start3A_83 = tpu.memref_slice %arg9[%dma_start3A_81, %dma_start3A_82] : memref<10240x64xbf16, #tpu.memory_space<vmem_shared>> -> memref<10240x64xbf16, #tpu.memory_space<vmem_shared>>
      tpu.enqueue_indirect_dma source(%arg8 : memref<128x64xbf16, #tpu.memory_space<vmem>>) target(%dma_start3A_83 : memref<10240x64xbf16, #tpu.memory_space<vmem_shared>>) offsets(%dma_start3A_80 : memref<128xi32, #tpu.memory_space<vmem>>) semaphore(%arg14 : memref<!tpu.dma_semaphore, #tpu.memory_space<semaphore_mem>>) {add = true}
      %add3A_84 = arith.constant 2 : i32
      %add3A_85 = arith.addi %add3A_43, %add3A_84 : i32
      %lt3A = arith.constant 80 : i32
      %lt3A_86 = arith.cmpi slt, %add3A_85, %lt3A : i32
      %convert_element_type3A = arith.extui %lt3A_86 : i1 to i32
      %cond3A = arith.constant 0 : i32
      %cond3A_87 = arith.cmpi ne, %convert_element_type3A, %cond3A : i32
      scf.if %cond3A_87 {
        %add3A_94 = arith.constant 2 : i32
        %add3A_95 = arith.addi %add3A_43, %add3A_94 : i32
        %dma_start3A_96 = arith.constant 0 : i32
        %dma_start3A_97 = tpu.memref_slice %arg5[%add3A_95, %dma_start3A_96] : memref<80x128xi32, #tpu.memory_space<vmem>> -> memref<1x128xi32, #tpu.memory_space<vmem>>
        %dma_start3A_98 = tpu.memref_squeeze %dma_start3A_97 : memref<1x128xi32, #tpu.memory_space<vmem>> -> memref<128xi32, #tpu.memory_space<vmem>>
        %dma_start3A_99 = arith.constant 0 : i32
        %dma_start3A_100 = arith.constant 0 : i32
        %dma_start3A_101 = tpu.memref_slice %arg10[%dma_start3A_99, %dma_start3A_100] : memref<10240x64xbf16, #tpu.memory_space<vmem_shared>> -> memref<10240x64xbf16, #tpu.memory_space<vmem_shared>>
        tpu.enqueue_indirect_dma source(%dma_start3A_101 : memref<10240x64xbf16, #tpu.memory_space<vmem_shared>>) target(%arg7 : memref<128x64xbf16, #tpu.memory_space<vmem>>) offsets(%dma_start3A_98 : memref<128xi32, #tpu.memory_space<vmem>>) semaphore(%arg11 : memref<!tpu.dma_semaphore, #tpu.memory_space<semaphore_mem>>)
      } else {
      }
      %dma_wait3A_88 = arith.constant 0 : i32
      %dma_wait3A_89 = tpu.memref_slice %arg6[%add3A_77, %dma_wait3A_88] : memref<80x128xi32, #tpu.memory_space<vmem>> -> memref<1x128xi32, #tpu.memory_space<vmem>>
      %dma_wait3A_90 = tpu.memref_squeeze %dma_wait3A_89 : memref<1x128xi32, #tpu.memory_space<vmem>> -> memref<128xi32, #tpu.memory_space<vmem>>
      %dma_wait3A_91 = arith.constant 0 : i32
      %dma_wait3A_92 = arith.constant 0 : i32
      %dma_wait3A_93 = tpu.memref_slice %arg9[%dma_wait3A_91, %dma_wait3A_92] : memref<10240x64xbf16, #tpu.memory_space<vmem_shared>> -> memref<10240x64xbf16, #tpu.memory_space<vmem_shared>>
      tpu.wait_indirect_dma semaphore(%arg14 : memref<!tpu.dma_semaphore, #tpu.memory_space<semaphore_mem>>) src(%arg8 : memref<128x64xbf16, #tpu.memory_space<vmem>>) dst(%dma_wait3A_93 : memref<10240x64xbf16, #tpu.memory_space<vmem_shared>>)
    }
    %scan3A_33 = arith.constant 40 : i32
    %barrier3A_34 = arith.constant 0 : index
    tpu.barrier barrier_id(%barrier3A_34)
    %mul3A_35 = arith.constant 640 : i32
    %mul3A_36 = arith.muli %arg1, %mul3A_35 : i32
    %mul3A_37 = arith.constant 640 : i32
    %mul3A_38 = arith.muli %arg1, %mul3A_37 : i32
    "tpu.region"() ({
      %run_scoped3A_39 = tpu.sem_alloc : memref<!tpu.dma_semaphore, #tpu.memory_space<semaphore_mem>>
      %dma_start3A_40 = arith.constant 0 : i32
      %dma_start3A_41 = tpu.memref_slice %arg4[%arg0, %mul3A_38, %dma_start3A_40] : memref<2x10240x64xbf16, #tpu.memory_space<hbm>> -> memref<1x640x64xbf16, #tpu.memory_space<hbm>>
      %dma_start3A_42 = tpu.memref_squeeze %dma_start3A_41 : memref<1x640x64xbf16, #tpu.memory_space<hbm>> -> memref<640x64xbf16, #tpu.memory_space<hbm>>
      %dma_start3A_43 = arith.constant 0 : i32
      %dma_start3A_44 = tpu.memref_slice %arg9[%mul3A_36, %dma_start3A_43] : memref<10240x64xbf16, #tpu.memory_space<vmem_shared>> -> memref<640x64xbf16, #tpu.memory_space<vmem_shared>>
      tpu.enqueue_dma source(%dma_start3A_44 : memref<640x64xbf16, #tpu.memory_space<vmem_shared>>) target(%dma_start3A_42 : memref<640x64xbf16, #tpu.memory_space<hbm>>) target_semaphore(%run_scoped3A_39 : memref<!tpu.dma_semaphore, #tpu.memory_space<semaphore_mem>>)
      %dma_wait3A_45 = arith.constant 0 : i32
      %dma_wait3A_46 = tpu.memref_slice %arg4[%arg0, %mul3A_38, %dma_wait3A_45] : memref<2x10240x64xbf16, #tpu.memory_space<hbm>> -> memref<1x640x64xbf16, #tpu.memory_space<hbm>>
      %dma_wait3A_47 = tpu.memref_squeeze %dma_wait3A_46 : memref<1x640x64xbf16, #tpu.memory_space<hbm>> -> memref<640x64xbf16, #tpu.memory_space<hbm>>
      %dma_wait3A_48 = arith.constant 0 : i32
      %dma_wait3A_49 = tpu.memref_slice %arg9[%mul3A_36, %dma_wait3A_48] : memref<10240x64xbf16, #tpu.memory_space<vmem_shared>> -> memref<640x64xbf16, #tpu.memory_space<vmem_shared>>
      tpu.wait_dma2 semaphore(%run_scoped3A_39 : memref<!tpu.dma_semaphore, #tpu.memory_space<semaphore_mem>>) src(%dma_wait3A_49 : memref<640x64xbf16, #tpu.memory_space<vmem_shared>>) dst(%dma_wait3A_47 : memref<640x64xbf16, #tpu.memory_space<hbm>>)
      tpu.yield
    }) : () -> ()
    return
  }
}

#map = affine_map<(d0, d1) -> (0, 0)>
#map1 = affine_map<(d0, d1) -> (0, 0, 0, 0)>
#map2 = affine_map<(d0, d1) -> (0, 0, 0)>
module attributes {stable_mosaic.version = 14 : i64} {
  func.func @_agg(%arg0: i32, %arg1: i32, %arg2: memref<10240x64xbf16, #tpu.memory_space<hbm>>, %arg3: memref<2x32x80x128xi32, #tpu.memory_space<hbm>>, %arg4: memref<2x10240x64xbf16, #tpu.memory_space<hbm>>, %arg5: memref<80x128xi32, #tpu.memory_space<vmem>>, %arg6: memref<80x128xi32, #tpu.memory_space<vmem>>, %arg7: memref<128x64xbf16, #tpu.memory_space<vmem>>, %arg8: memref<128x64xbf16, #tpu.memory_space<vmem>>, %arg9: memref<10240x64xbf16, #tpu.memory_space<vmem_shared>>, %arg10: memref<10240x64xbf16, #tpu.memory_space<vmem_shared>>, %arg11: memref<!tpu.dma_semaphore, #tpu.memory_space<semaphore_mem>>, %arg12: memref<!tpu.dma_semaphore, #tpu.memory_space<semaphore_mem>>, %arg13: memref<!tpu.dma_semaphore, #tpu.memory_space<semaphore_mem>>, %arg14: memref<!tpu.dma_semaphore, #tpu.memory_space<semaphore_mem>>) attributes {dimension_semantics = [#tpu.dimension_semantics<core_parallel>, #tpu.dimension_semantics<subcore_parallel>], iteration_bounds = array<i64: 2, 16>, scalar_prefetch = 0 : i64, scratch_operands = 10 : i64, tpu.core_type = #tpu.core_type<sc_vector_subcore>, window_params = [{transform_indices = #map}, {transform_indices = #map1}, {transform_indices = #map2}]} {
    %mul3A = arith.constant 16 : i32
    %mul3A_0 = arith.muli %arg0, %mul3A : i32
    %add3A = arith.addi %mul3A_0, %arg1 : i32
    %mul3A_1 = arith.constant 640 : i32
    %mul3A_2 = arith.muli %arg1, %mul3A_1 : i32
    %mul3A_3 = arith.constant 640 : i32
    %mul3A_4 = arith.muli %arg1, %mul3A_3 : i32
    %dma_start3A = arith.constant 0 : i32
    %dma_start3A_5 = tpu.memref_slice %arg10[%mul3A_4, %dma_start3A] : memref<10240x64xbf16, #tpu.memory_space<vmem_shared>> -> memref<640x64xbf16, #tpu.memory_space<vmem_shared>>
    %dma_start3A_6 = arith.constant 0 : i32
    %dma_start3A_7 = tpu.memref_slice %arg2[%mul3A_2, %dma_start3A_6] : memref<10240x64xbf16, #tpu.memory_space<hbm>> -> memref<640x64xbf16, #tpu.memory_space<hbm>>
    tpu.enqueue_dma source(%dma_start3A_7 : memref<640x64xbf16, #tpu.memory_space<hbm>>) target(%dma_start3A_5 : memref<640x64xbf16, #tpu.memory_space<vmem_shared>>) target_semaphore(%arg12 : memref<!tpu.dma_semaphore, #tpu.memory_space<semaphore_mem>>)
    %run_scoped3A = arith.constant 0 : i32
    "tpu.region"() ({
      %run_scoped3A_39 = tpu.sem_alloc : memref<!tpu.dma_semaphore, #tpu.memory_space<semaphore_mem>>
      %dma_start3A_40 = arith.constant 0 : i32
      %dma_start3A_41 = arith.constant 0 : i32
      %dma_start3A_42 = tpu.memref_slice %arg3[%run_scoped3A, %add3A, %dma_start3A_40, %dma_start3A_41] : memref<2x32x80x128xi32, #tpu.memory_space<hbm>> -> memref<1x1x80x128xi32, #tpu.memory_space<hbm>>
      %dma_start3A_43 = tpu.memref_squeeze %dma_start3A_42 : memref<1x1x80x128xi32, #tpu.memory_space<hbm>> -> memref<80x128xi32, #tpu.memory_space<hbm>>
      %dma_start3A_44 = arith.constant 0 : i32
      %dma_start3A_45 = arith.constant 0 : i32
      %dma_start3A_46 = tpu.memref_slice %arg3[%run_scoped3A, %add3A, %dma_start3A_44, %dma_start3A_45] : memref<2x32x80x128xi32, #tpu.memory_space<hbm>> -> memref<1x1x80x128xi32, #tpu.memory_space<hbm>>
      %dma_start3A_47 = tpu.memref_squeeze %dma_start3A_46 : memref<1x1x80x128xi32, #tpu.memory_space<hbm>> -> memref<80x128xi32, #tpu.memory_space<hbm>>
      tpu.enqueue_dma source(%dma_start3A_47 : memref<80x128xi32, #tpu.memory_space<hbm>>) target(%arg5 : memref<80x128xi32, #tpu.memory_space<vmem>>) target_semaphore(%run_scoped3A_39 : memref<!tpu.dma_semaphore, #tpu.memory_space<semaphore_mem>>)
      %dma_wait3A_48 = arith.constant 0 : i32
      %dma_wait3A_49 = arith.constant 0 : i32
      %dma_wait3A_50 = tpu.memref_slice %arg3[%run_scoped3A, %add3A, %dma_wait3A_48, %dma_wait3A_49] : memref<2x32x80x128xi32, #tpu.memory_space<hbm>> -> memref<1x1x80x128xi32, #tpu.memory_space<hbm>>
      %dma_wait3A_51 = tpu.memref_squeeze %dma_wait3A_50 : memref<1x1x80x128xi32, #tpu.memory_space<hbm>> -> memref<80x128xi32, #tpu.memory_space<hbm>>
      %dma_wait3A_52 = arith.constant 0 : i32
      %dma_wait3A_53 = arith.constant 0 : i32
      %dma_wait3A_54 = tpu.memref_slice %arg3[%run_scoped3A, %add3A, %dma_wait3A_52, %dma_wait3A_53] : memref<2x32x80x128xi32, #tpu.memory_space<hbm>> -> memref<1x1x80x128xi32, #tpu.memory_space<hbm>>
      %dma_wait3A_55 = tpu.memref_squeeze %dma_wait3A_54 : memref<1x1x80x128xi32, #tpu.memory_space<hbm>> -> memref<80x128xi32, #tpu.memory_space<hbm>>
      tpu.wait_dma2 semaphore(%run_scoped3A_39 : memref<!tpu.dma_semaphore, #tpu.memory_space<semaphore_mem>>) src(%dma_wait3A_55 : memref<80x128xi32, #tpu.memory_space<hbm>>) dst(%arg5 : memref<80x128xi32, #tpu.memory_space<vmem>>)
      tpu.yield
    }) : () -> ()
    %run_scoped3A_8 = arith.constant 1 : i32
    "tpu.region"() ({
      %run_scoped3A_39 = tpu.sem_alloc : memref<!tpu.dma_semaphore, #tpu.memory_space<semaphore_mem>>
      %dma_start3A_40 = arith.constant 0 : i32
      %dma_start3A_41 = arith.constant 0 : i32
      %dma_start3A_42 = tpu.memref_slice %arg3[%run_scoped3A_8, %add3A, %dma_start3A_40, %dma_start3A_41] : memref<2x32x80x128xi32, #tpu.memory_space<hbm>> -> memref<1x1x80x128xi32, #tpu.memory_space<hbm>>
      %dma_start3A_43 = tpu.memref_squeeze %dma_start3A_42 : memref<1x1x80x128xi32, #tpu.memory_space<hbm>> -> memref<80x128xi32, #tpu.memory_space<hbm>>
      %dma_start3A_44 = arith.constant 0 : i32
      %dma_start3A_45 = arith.constant 0 : i32
      %dma_start3A_46 = tpu.memref_slice %arg3[%run_scoped3A_8, %add3A, %dma_start3A_44, %dma_start3A_45] : memref<2x32x80x128xi32, #tpu.memory_space<hbm>> -> memref<1x1x80x128xi32, #tpu.memory_space<hbm>>
      %dma_start3A_47 = tpu.memref_squeeze %dma_start3A_46 : memref<1x1x80x128xi32, #tpu.memory_space<hbm>> -> memref<80x128xi32, #tpu.memory_space<hbm>>
      tpu.enqueue_dma source(%dma_start3A_47 : memref<80x128xi32, #tpu.memory_space<hbm>>) target(%arg6 : memref<80x128xi32, #tpu.memory_space<vmem>>) target_semaphore(%run_scoped3A_39 : memref<!tpu.dma_semaphore, #tpu.memory_space<semaphore_mem>>)
      %dma_wait3A_48 = arith.constant 0 : i32
      %dma_wait3A_49 = arith.constant 0 : i32
      %dma_wait3A_50 = tpu.memref_slice %arg3[%run_scoped3A_8, %add3A, %dma_wait3A_48, %dma_wait3A_49] : memref<2x32x80x128xi32, #tpu.memory_space<hbm>> -> memref<1x1x80x128xi32, #tpu.memory_space<hbm>>
      %dma_wait3A_51 = tpu.memref_squeeze %dma_wait3A_50 : memref<1x1x80x128xi32, #tpu.memory_space<hbm>> -> memref<80x128xi32, #tpu.memory_space<hbm>>
      %dma_wait3A_52 = arith.constant 0 : i32
      %dma_wait3A_53 = arith.constant 0 : i32
      %dma_wait3A_54 = tpu.memref_slice %arg3[%run_scoped3A_8, %add3A, %dma_wait3A_52, %dma_wait3A_53] : memref<2x32x80x128xi32, #tpu.memory_space<hbm>> -> memref<1x1x80x128xi32, #tpu.memory_space<hbm>>
      %dma_wait3A_55 = tpu.memref_squeeze %dma_wait3A_54 : memref<1x1x80x128xi32, #tpu.memory_space<hbm>> -> memref<80x128xi32, #tpu.memory_space<hbm>>
      tpu.wait_dma2 semaphore(%run_scoped3A_39 : memref<!tpu.dma_semaphore, #tpu.memory_space<semaphore_mem>>) src(%dma_wait3A_55 : memref<80x128xi32, #tpu.memory_space<hbm>>) dst(%arg6 : memref<80x128xi32, #tpu.memory_space<vmem>>)
      tpu.yield
    }) : () -> ()
    %broadcast_in_dim3A = arith.constant 0.000000e+00 : bf16
    %broadcast_in_dim3A_9 = vector.broadcast %broadcast_in_dim3A : bf16 to vector<32xbf16>
    %scan3A = arith.constant 0 : i32
    %scan3A_10 = arith.constant 128 : i32
    %scan3A_11 = arith.addi %scan3A, %scan3A_10 : i32
    %scan3A_12 = arith.constant 1 : i32
    scf.for %scan3A_39 = %scan3A to %scan3A_11 step %scan3A_12  : i32 {
      %mul3A_40 = arith.constant 1 : i32
      %mul3A_41 = arith.muli %scan3A_39, %mul3A_40 : i32
      %add3A_42 = arith.constant 0 : i32
      %add3A_43 = arith.addi %add3A_42, %mul3A_41 : i32
      %swap3A = arith.index_cast %add3A_43 : i32 to index
      %swap3A_44 = arith.constant 0 : index
      %swap3A_45 = tpu.vector_load %arg7[%swap3A, %swap3A_44] {strides = array<i32>} : memref<128x64xbf16, #tpu.memory_space<vmem>>, vector<32xbf16>,
      tpu.vector_store %arg7[%swap3A, %swap3A_44], %broadcast_in_dim3A_9 {strides = array<i32>} : memref<128x64xbf16, #tpu.memory_space<vmem>>, vector<32xbf16>,
      %swap3A_46 = arith.index_cast %add3A_43 : i32 to index
      %swap3A_47 = arith.constant 32 : index
      %swap3A_48 = tpu.vector_load %arg7[%swap3A_46, %swap3A_47] {strides = array<i32>} : memref<128x64xbf16, #tpu.memory_space<vmem>>, vector<32xbf16>,
      tpu.vector_store %arg7[%swap3A_46, %swap3A_47], %broadcast_in_dim3A_9 {strides = array<i32>} : memref<128x64xbf16, #tpu.memory_space<vmem>>, vector<32xbf16>,
    }
    %scan3A_13 = arith.constant 128 : i32
    %scan3A_14 = arith.constant 0 : i32
    %scan3A_15 = arith.constant 5 : i32
    %scan3A_16 = arith.addi %scan3A_14, %scan3A_15 : i32
    %scan3A_17 = arith.constant 1 : i32
    scf.for %scan3A_39 = %scan3A_14 to %scan3A_16 step %scan3A_17  : i32 {
      %mul3A_40 = arith.constant 1 : i32
      %mul3A_41 = arith.muli %scan3A_39, %mul3A_40 : i32
      %add3A_42 = arith.constant 0 : i32
      %add3A_43 = arith.addi %add3A_42, %mul3A_41 : i32
      %mul3A_44 = arith.constant 640 : i32
      %mul3A_45 = arith.muli %arg1, %mul3A_44 : i32
      %mul3A_46 = arith.constant 128 : i32
      %mul3A_47 = arith.muli %add3A_43, %mul3A_46 : i32
      %add3A_48 = arith.addi %mul3A_45, %mul3A_47 : i32
      "tpu.region"() ({
        %run_scoped3A_49 = tpu.sem_alloc : memref<!tpu.dma_semaphore, #tpu.memory_space<semaphore_mem>>
        %dma_start3A_50 = arith.constant 0 : i32
        %dma_start3A_51 = tpu.memref_slice %arg9[%add3A_48, %dma_start3A_50] : memref<10240x64xbf16, #tpu.memory_space<vmem_shared>> -> memref<128x64xbf16, #tpu.memory_space<vmem_shared>>
        %dma_start3A_52 = arith.constant 0 : i32
        %dma_start3A_53 = tpu.memref_slice %arg9[%add3A_48, %dma_start3A_52] : memref<10240x64xbf16, #tpu.memory_space<vmem_shared>> -> memref<128x64xbf16, #tpu.memory_space<vmem_shared>>
        tpu.enqueue_dma source(%arg7 : memref<128x64xbf16, #tpu.memory_space<vmem>>) target(%dma_start3A_53 : memref<128x64xbf16, #tpu.memory_space<vmem_shared>>) target_semaphore(%run_scoped3A_49 : memref<!tpu.dma_semaphore, #tpu.memory_space<semaphore_mem>>)
        %dma_wait3A_54 = arith.constant 0 : i32
        %dma_wait3A_55 = tpu.memref_slice %arg9[%add3A_48, %dma_wait3A_54] : memref<10240x64xbf16, #tpu.memory_space<vmem_shared>> -> memref<128x64xbf16, #tpu.memory_space<vmem_shared>>
        %dma_wait3A_56 = arith.constant 0 : i32
        %dma_wait3A_57 = tpu.memref_slice %arg9[%add3A_48, %dma_wait3A_56] : memref<10240x64xbf16, #tpu.memory_space<vmem_shared>> -> memref<128x64xbf16, #tpu.memory_space<vmem_shared>>
        tpu.wait_dma2 semaphore(%run_scoped3A_49 : memref<!tpu.dma_semaphore, #tpu.memory_space<semaphore_mem>>) src(%arg7 : memref<128x64xbf16, #tpu.memory_space<vmem>>) dst(%dma_wait3A_57 : memref<128x64xbf16, #tpu.memory_space<vmem_shared>>)
        tpu.yield
      }) : () -> ()
    }
    %scan3A_18 = arith.constant 5 : i32
    %dma_wait3A = arith.constant 0 : i32
    %dma_wait3A_19 = tpu.memref_slice %arg10[%mul3A_4, %dma_wait3A] : memref<10240x64xbf16, #tpu.memory_space<vmem_shared>> -> memref<640x64xbf16, #tpu.memory_space<vmem_shared>>
    %dma_wait3A_20 = arith.constant 0 : i32
    %dma_wait3A_21 = tpu.memref_slice %arg2[%mul3A_2, %dma_wait3A_20] : memref<10240x64xbf16, #tpu.memory_space<hbm>> -> memref<640x64xbf16, #tpu.memory_space<hbm>>
    tpu.wait_dma2 semaphore(%arg12 : memref<!tpu.dma_semaphore, #tpu.memory_space<semaphore_mem>>) src(%dma_wait3A_21 : memref<640x64xbf16, #tpu.memory_space<hbm>>) dst(%dma_wait3A_19 : memref<640x64xbf16, #tpu.memory_space<vmem_shared>>)
    %barrier3A = arith.constant 0 : index
    tpu.barrier barrier_id(%barrier3A)
    %dma_start3A_22 = arith.constant 0 : i32
    %dma_start3A_23 = arith.constant 0 : i32
    %dma_start3A_24 = tpu.memref_slice %arg5[%dma_start3A_22, %dma_start3A_23] : memref<80x128xi32, #tpu.memory_space<vmem>> -> memref<1x128xi32, #tpu.memory_space<vmem>>
    %dma_start3A_25 = tpu.memref_squeeze %dma_start3A_24 : memref<1x128xi32, #tpu.memory_space<vmem>> -> memref<128xi32, #tpu.memory_space<vmem>>
    %dma_start3A_26 = arith.constant 0 : i32
    %dma_start3A_27 = arith.constant 0 : i32
    %dma_start3A_28 = tpu.memref_slice %arg10[%dma_start3A_26, %dma_start3A_27] : memref<10240x64xbf16, #tpu.memory_space<vmem_shared>> -> memref<10240x64xbf16, #tpu.memory_space<vmem_shared>>
    tpu.enqueue_indirect_dma source(%dma_start3A_28 : memref<10240x64xbf16, #tpu.memory_space<vmem_shared>>) target(%arg7 : memref<128x64xbf16, #tpu.memory_space<vmem>>) offsets(%dma_start3A_25 : memref<128xi32, #tpu.memory_space<vmem>>) semaphore(%arg11 : memref<!tpu.dma_semaphore, #tpu.memory_space<semaphore_mem>>)
    %scan3A_29 = arith.constant 0 : i32
    %scan3A_30 = arith.constant 40 : i32
    %scan3A_31 = arith.addi %scan3A_29, %scan3A_30 : i32
    %scan3A_32 = arith.constant 1 : i32
    scf.for %scan3A_39 = %scan3A_29 to %scan3A_31 step %scan3A_32  : i32 {
      %mul3A_40 = arith.constant 2 : i32
      %mul3A_41 = arith.muli %scan3A_39, %mul3A_40 : i32
      %add3A_42 = arith.constant 0 : i32
      %add3A_43 = arith.addi %add3A_42, %mul3A_41 : i32
      %dma_wait3A_44 = arith.constant 0 : i32
      %dma_wait3A_45 = tpu.memref_slice %arg5[%add3A_43, %dma_wait3A_44] : memref<80x128xi32, #tpu.memory_space<vmem>> -> memref<1x128xi32, #tpu.memory_space<vmem>>
      %dma_wait3A_46 = tpu.memref_squeeze %dma_wait3A_45 : memref<1x128xi32, #tpu.memory_space<vmem>> -> memref<128xi32, #tpu.memory_space<vmem>>
      %dma_wait3A_47 = arith.constant 0 : i32
      %dma_wait3A_48 = arith.constant 0 : i32
      %dma_wait3A_49 = tpu.memref_slice %arg10[%dma_wait3A_47, %dma_wait3A_48] : memref<10240x64xbf16, #tpu.memory_space<vmem_shared>> -> memref<10240x64xbf16, #tpu.memory_space<vmem_shared>>
      tpu.wait_indirect_dma semaphore(%arg11 : memref<!tpu.dma_semaphore, #tpu.memory_space<semaphore_mem>>) src(%dma_wait3A_49 : memref<10240x64xbf16, #tpu.memory_space<vmem_shared>>) dst(%arg7 : memref<128x64xbf16, #tpu.memory_space<vmem>>)
      %dma_start3A_50 = arith.constant 0 : i32
      %dma_start3A_51 = tpu.memref_slice %arg6[%add3A_43, %dma_start3A_50] : memref<80x128xi32, #tpu.memory_space<vmem>> -> memref<1x128xi32, #tpu.memory_space<vmem>>
      %dma_start3A_52 = tpu.memref_squeeze %dma_start3A_51 : memref<1x128xi32, #tpu.memory_space<vmem>> -> memref<128xi32, #tpu.memory_space<vmem>>
      %dma_start3A_53 = arith.constant 0 : i32
      %dma_start3A_54 = arith.constant 0 : i32
      %dma_start3A_55 = tpu.memref_slice %arg9[%dma_start3A_53, %dma_start3A_54] : memref<10240x64xbf16, #tpu.memory_space<vmem_shared>> -> memref<10240x64xbf16, #tpu.memory_space<vmem_shared>>
      tpu.enqueue_indirect_dma source(%arg7 : memref<128x64xbf16, #tpu.memory_space<vmem>>) target(%dma_start3A_55 : memref<10240x64xbf16, #tpu.memory_space<vmem_shared>>) offsets(%dma_start3A_52 : memref<128xi32, #tpu.memory_space<vmem>>) semaphore(%arg13 : memref<!tpu.dma_semaphore, #tpu.memory_space<semaphore_mem>>) {add = true}
      %add3A_56 = arith.constant 1 : i32
      %add3A_57 = arith.addi %add3A_43, %add3A_56 : i32
      %dma_start3A_58 = arith.constant 0 : i32
      %dma_start3A_59 = tpu.memref_slice %arg5[%add3A_57, %dma_start3A_58] : memref<80x128xi32, #tpu.memory_space<vmem>> -> memref<1x128xi32, #tpu.memory_space<vmem>>
      %dma_start3A_60 = tpu.memref_squeeze %dma_start3A_59 : memref<1x128xi32, #tpu.memory_space<vmem>> -> memref<128xi32, #tpu.memory_space<vmem>>
      %dma_start3A_61 = arith.constant 0 : i32
      %dma_start3A_62 = arith.constant 0 : i32
      %dma_start3A_63 = tpu.memref_slice %arg10[%dma_start3A_61, %dma_start3A_62] : memref<10240x64xbf16, #tpu.memory_space<vmem_shared>> -> memref<10240x64xbf16, #tpu.memory_space<vmem_shared>>
      tpu.enqueue_indirect_dma source(%dma_start3A_63 : memref<10240x64xbf16, #tpu.memory_space<vmem_shared>>) target(%arg8 : memref<128x64xbf16, #tpu.memory_space<vmem>>) offsets(%dma_start3A_60 : memref<128xi32, #tpu.memory_space<vmem>>) semaphore(%arg12 : memref<!tpu.dma_semaphore, #tpu.memory_space<semaphore_mem>>)
      %dma_wait3A_64 = arith.constant 0 : i32
      %dma_wait3A_65 = tpu.memref_slice %arg6[%add3A_43, %dma_wait3A_64] : memref<80x128xi32, #tpu.memory_space<vmem>> -> memref<1x128xi32, #tpu.memory_space<vmem>>
      %dma_wait3A_66 = tpu.memref_squeeze %dma_wait3A_65 : memref<1x128xi32, #tpu.memory_space<vmem>> -> memref<128xi32, #tpu.memory_space<vmem>>
      %dma_wait3A_67 = arith.constant 0 : i32
      %dma_wait3A_68 = arith.constant 0 : i32
      %dma_wait3A_69 = tpu.memref_slice %arg9[%dma_wait3A_67, %dma_wait3A_68] : memref<10240x64xbf16, #tpu.memory_space<vmem_shared>> -> memref<10240x64xbf16, #tpu.memory_space<vmem_shared>>
      tpu.wait_indirect_dma semaphore(%arg13 : memref<!tpu.dma_semaphore, #tpu.memory_space<semaphore_mem>>) src(%arg7 : memref<128x64xbf16, #tpu.memory_space<vmem>>) dst(%dma_wait3A_69 : memref<10240x64xbf16, #tpu.memory_space<vmem_shared>>)
      %dma_wait3A_70 = arith.constant 0 : i32
      %dma_wait3A_71 = tpu.memref_slice %arg5[%add3A_57, %dma_wait3A_70] : memref<80x128xi32, #tpu.memory_space<vmem>> -> memref<1x128xi32, #tpu.memory_space<vmem>>
      %dma_wait3A_72 = tpu.memref_squeeze %dma_wait3A_71 : memref<1x128xi32, #tpu.memory_space<vmem>> -> memref<128xi32, #tpu.memory_space<vmem>>
      %dma_wait3A_73 = arith.constant 0 : i32
      %dma_wait3A_74 = arith.constant 0 : i32
      %dma_wait3A_75 = tpu.memref_slice %arg10[%dma_wait3A_73, %dma_wait3A_74] : memref<10240x64xbf16, #tpu.memory_space<vmem_shared>> -> memref<10240x64xbf16, #tpu.memory_space<vmem_shared>>
      tpu.wait_indirect_dma semaphore(%arg12 : memref<!tpu.dma_semaphore, #tpu.memory_space<semaphore_mem>>) src(%dma_wait3A_75 : memref<10240x64xbf16, #tpu.memory_space<vmem_shared>>) dst(%arg8 : memref<128x64xbf16, #tpu.memory_space<vmem>>)
      %add3A_76 = arith.constant 1 : i32
      %add3A_77 = arith.addi %add3A_43, %add3A_76 : i32
      %dma_start3A_78 = arith.constant 0 : i32
      %dma_start3A_79 = tpu.memref_slice %arg6[%add3A_77, %dma_start3A_78] : memref<80x128xi32, #tpu.memory_space<vmem>> -> memref<1x128xi32, #tpu.memory_space<vmem>>
      %dma_start3A_80 = tpu.memref_squeeze %dma_start3A_79 : memref<1x128xi32, #tpu.memory_space<vmem>> -> memref<128xi32, #tpu.memory_space<vmem>>
      %dma_start3A_81 = arith.constant 0 : i32
      %dma_start3A_82 = arith.constant 0 : i32
      %dma_start3A_83 = tpu.memref_slice %arg9[%dma_start3A_81, %dma_start3A_82] : memref<10240x64xbf16, #tpu.memory_space<vmem_shared>> -> memref<10240x64xbf16, #tpu.memory_space<vmem_shared>>
      tpu.enqueue_indirect_dma source(%arg8 : memref<128x64xbf16, #tpu.memory_space<vmem>>) target(%dma_start3A_83 : memref<10240x64xbf16, #tpu.memory_space<vmem_shared>>) offsets(%dma_start3A_80 : memref<128xi32, #tpu.memory_space<vmem>>) semaphore(%arg14 : memref<!tpu.dma_semaphore, #tpu.memory_space<semaphore_mem>>) {add = true}
      %add3A_84 = arith.constant 2 : i32
      %add3A_85 = arith.addi %add3A_43, %add3A_84 : i32
      %lt3A = arith.constant 80 : i32
      %lt3A_86 = arith.cmpi slt, %add3A_85, %lt3A : i32
      %convert_element_type3A = arith.extui %lt3A_86 : i1 to i32
      %cond3A = arith.constant 0 : i32
      %cond3A_87 = arith.cmpi ne, %convert_element_type3A, %cond3A : i32
      scf.if %cond3A_87 {
        %add3A_94 = arith.constant 2 : i32
        %add3A_95 = arith.addi %add3A_43, %add3A_94 : i32
        %dma_start3A_96 = arith.constant 0 : i32
        %dma_start3A_97 = tpu.memref_slice %arg5[%add3A_95, %dma_start3A_96] : memref<80x128xi32, #tpu.memory_space<vmem>> -> memref<1x128xi32, #tpu.memory_space<vmem>>
        %dma_start3A_98 = tpu.memref_squeeze %dma_start3A_97 : memref<1x128xi32, #tpu.memory_space<vmem>> -> memref<128xi32, #tpu.memory_space<vmem>>
        %dma_start3A_99 = arith.constant 0 : i32
        %dma_start3A_100 = arith.constant 0 : i32
        %dma_start3A_101 = tpu.memref_slice %arg10[%dma_start3A_99, %dma_start3A_100] : memref<10240x64xbf16, #tpu.memory_space<vmem_shared>> -> memref<10240x64xbf16, #tpu.memory_space<vmem_shared>>
        tpu.enqueue_indirect_dma source(%dma_start3A_101 : memref<10240x64xbf16, #tpu.memory_space<vmem_shared>>) target(%arg7 : memref<128x64xbf16, #tpu.memory_space<vmem>>) offsets(%dma_start3A_98 : memref<128xi32, #tpu.memory_space<vmem>>) semaphore(%arg11 : memref<!tpu.dma_semaphore, #tpu.memory_space<semaphore_mem>>)
      } else {
      }
      %dma_wait3A_88 = arith.constant 0 : i32
      %dma_wait3A_89 = tpu.memref_slice %arg6[%add3A_77, %dma_wait3A_88] : memref<80x128xi32, #tpu.memory_space<vmem>> -> memref<1x128xi32, #tpu.memory_space<vmem>>
      %dma_wait3A_90 = tpu.memref_squeeze %dma_wait3A_89 : memref<1x128xi32, #tpu.memory_space<vmem>> -> memref<128xi32, #tpu.memory_space<vmem>>
      %dma_wait3A_91 = arith.constant 0 : i32
      %dma_wait3A_92 = arith.constant 0 : i32
      %dma_wait3A_93 = tpu.memref_slice %arg9[%dma_wait3A_91, %dma_wait3A_92] : memref<10240x64xbf16, #tpu.memory_space<vmem_shared>> -> memref<10240x64xbf16, #tpu.memory_space<vmem_shared>>
      tpu.wait_indirect_dma semaphore(%arg14 : memref<!tpu.dma_semaphore, #tpu.memory_space<semaphore_mem>>) src(%arg8 : memref<128x64xbf16, #tpu.memory_space<vmem>>) dst(%dma_wait3A_93 : memref<10240x64xbf16, #tpu.memory_space<vmem_shared>>)
    }
    %scan3A_33 = arith.constant 40 : i32
    %barrier3A_34 = arith.constant 0 : index
    tpu.barrier barrier_id(%barrier3A_34)
    %mul3A_35 = arith.constant 640 : i32
    %mul3A_36 = arith.muli %arg1, %mul3A_35 : i32
    %mul3A_37 = arith.constant 640 : i32
    %mul3A_38 = arith.muli %arg1, %mul3A_37 : i32
    "tpu.region"() ({
      %run_scoped3A_39 = tpu.sem_alloc : memref<!tpu.dma_semaphore, #tpu.memory_space<semaphore_mem>>
      %dma_start3A_40 = arith.constant 0 : i32
      %dma_start3A_41 = tpu.memref_slice %arg4[%arg0, %mul3A_38, %dma_start3A_40] : memref<2x10240x64xbf16, #tpu.memory_space<hbm>> -> memref<1x640x64xbf16, #tpu.memory_space<hbm>>
      %dma_start3A_42 = tpu.memref_squeeze %dma_start3A_41 : memref<1x640x64xbf16, #tpu.memory_space<hbm>> -> memref<640x64xbf16, #tpu.memory_space<hbm>>
      %dma_start3A_43 = arith.constant 0 : i32
      %dma_start3A_44 = tpu.memref_slice %arg9[%mul3A_36, %dma_start3A_43] : memref<10240x64xbf16, #tpu.memory_space<vmem_shared>> -> memref<640x64xbf16, #tpu.memory_space<vmem_shared>>
      tpu.enqueue_dma source(%dma_start3A_44 : memref<640x64xbf16, #tpu.memory_space<vmem_shared>>) target(%dma_start3A_42 : memref<640x64xbf16, #tpu.memory_space<hbm>>) target_semaphore(%run_scoped3A_39 : memref<!tpu.dma_semaphore, #tpu.memory_space<semaphore_mem>>)
      %dma_wait3A_45 = arith.constant 0 : i32
      %dma_wait3A_46 = tpu.memref_slice %arg4[%arg0, %mul3A_38, %dma_wait3A_45] : memref<2x10240x64xbf16, #tpu.memory_space<hbm>> -> memref<1x640x64xbf16, #tpu.memory_space<hbm>>
      %dma_wait3A_47 = tpu.memref_squeeze %dma_wait3A_46 : memref<1x640x64xbf16, #tpu.memory_space<hbm>> -> memref<640x64xbf16, #tpu.memory_space<hbm>>
      %dma_wait3A_48 = arith.constant 0 : i32
      %dma_wait3A_49 = tpu.memref_slice %arg9[%mul3A_36, %dma_wait3A_48] : memref<10240x64xbf16, #tpu.memory_space<vmem_shared>> -> memref<640x64xbf16, #tpu.memory_space<vmem_shared>>
      tpu.wait_dma2 semaphore(%run_scoped3A_39 : memref<!tpu.dma_semaphore, #tpu.memory_space<semaphore_mem>>) src(%dma_wait3A_49 : memref<640x64xbf16, #tpu.memory_space<vmem_shared>>) dst(%dma_wait3A_47 : memref<640x64xbf16, #tpu.memory_space<hbm>>)
      tpu.yield
    }) : () -> ()
    return
  }
}

module attributes {stable_mosaic.version = 14 : i64} {
  func.func @_tc_mm1(%arg0: i32, %arg1: memref<1024x128xf32, #tpu.memory_space<vmem>>, %arg2: memref<128x64xf32, #tpu.memory_space<vmem>>, %arg3: memref<1024x64xf32, #tpu.memory_space<vmem>>) attributes {dimension_semantics = [#tpu.dimension_semantics<arbitrary>], iteration_bounds = array<i64: 10>, scalar_prefetch = 0 : i64, scratch_operands = 0 : i64, tpu.core_type = #tpu.core_type<tc>, window_params = [{transform_indices = @transform_0, window_bounds = array<i64: 1024, 128>}, {pipeline_mode = #tpu.pipeline_mode<synchronous>, transform_indices = @transform_1, window_bounds = array<i64: 128, 64>}, {transform_indices = @transform_2, window_bounds = array<i64: 1024, 64>}]} {
    %get3A = arith.constant 0 : index
    %get3A_0 = arith.constant 0 : index
    %get3A_1 = vector.load %arg1[%get3A, %get3A_0] : memref<1024x128xf32, #tpu.memory_space<vmem>>, vector<1024x128xf32>
    %get3A_2 = arith.constant 0 : index
    %get3A_3 = arith.constant 0 : index
    %get3A_4 = vector.load %arg2[%get3A_2, %get3A_3] : memref<128x64xf32, #tpu.memory_space<vmem>>, vector<128x64xf32>
    %dot_general3A = arith.constant dense<0.000000e+00> : vector<1024x64xf32>
    %dot_general3A_5 = tpu.matmul %get3A_1, %get3A_4, %dot_general3A {dimension_numbers = #tpu.dot_dimension_numbers<[1], [0], [0], [1], [0, 0, 1, 1], [], []>, transpose_lhs_hint = false} : vector<1024x128xf32>, vector<128x64xf32>, vector<1024x64xf32> -> vector<1024x64xf32>
    %swap3A = arith.constant 0 : index
    %swap3A_6 = arith.constant 0 : index
    %swap3A_7 = vector.load %arg3[%swap3A, %swap3A_6] : memref<1024x64xf32, #tpu.memory_space<vmem>>, vector<1024x64xf32>
    tpu.vector_store %arg3[%swap3A, %swap3A_6], %dot_general3A_5 {strides = array<i32>} : memref<1024x64xf32, #tpu.memory_space<vmem>>, vector<1024x64xf32>,
    return
  }
  func.func @transform_0(%arg0: i32) -> (i32, i32) {
    %c0_i32 = arith.constant 0 : i32
    %c0_i32_0 = arith.constant 0 : i32
    return %arg0, %c0_i32 : i32, i32
  }
  func.func @transform_1(%arg0: i32) -> (i32, i32) {
    %c0_i32 = arith.constant 0 : i32
    %c0_i32_0 = arith.constant 0 : i32
    %c0_i32_1 = arith.constant 0 : i32
    return %c0_i32, %c0_i32_0 : i32, i32
  }
  func.func @transform_2(%arg0: i32) -> (i32, i32) {
    %c0_i32 = arith.constant 0 : i32
    %c0_i32_0 = arith.constant 0 : i32
    return %arg0, %c0_i32 : i32, i32
  }
}

module attributes {stable_mosaic.version = 14 : i64} {
  func.func @_tc_prep(%arg0: memref<2x320000xi32, #tpu.memory_space<vmem>>, %arg1: memref<2x32x80x128xi32, #tpu.memory_space<vmem>>) attributes {dimension_semantics = [], scalar_prefetch = 0 : i64, scratch_operands = 0 : i64, tpu.core_type = #tpu.core_type<tc>} {
    %get3A = arith.constant 0 : index
    %get3A_0 = arith.constant 0 : index
    %get3A_1 = vector.load %arg0[%get3A, %get3A_0] : memref<2x320000xi32, #tpu.memory_space<vmem>>, vector<2x320000xi32>
    %reshape3A = vector.shape_cast %get3A_1 : vector<2x320000xi32> to vector<2x2500x128xi32>
    %broadcast_in_dim3A = arith.constant 10000 : i32
    %broadcast_in_dim3A_2 = vector.broadcast %broadcast_in_dim3A : i32 to vector<2x60x128xi32>
    %concatenate3A = tpu.concatenate %reshape3A, %broadcast_in_dim3A_2 in 1 : vector<2x2500x128xi32>, vector<2x60x128xi32> -> vector<2x2560x128xi32>
    %lt3A = arith.constant 5120 : i32
    %lt3A_3 = vector.broadcast %lt3A : i32 to vector<2x2560x128xi32>
    %lt3A_4 = arith.cmpi slt, %concatenate3A, %lt3A_3 : vector<2x2560x128xi32>
    %mul3A = arith.constant 2 : i32
    %mul3A_5 = vector.broadcast %mul3A : i32 to vector<2x2560x128xi32>
    %mul3A_6 = arith.muli %mul3A_5, %concatenate3A : vector<2x2560x128xi32>
    %mul3A_7 = arith.constant 2 : i32
    %mul3A_8 = vector.broadcast %mul3A_7 : i32 to vector<2x2560x128xi32>
    %mul3A_9 = arith.muli %mul3A_8, %concatenate3A : vector<2x2560x128xi32>
    %sub3A = arith.constant 10239 : i32
    %sub3A_10 = vector.broadcast %sub3A : i32 to vector<2x2560x128xi32>
    %sub3A_11 = arith.subi %mul3A_9, %sub3A_10 : vector<2x2560x128xi32>
    %select_n3A = arith.select %lt3A_4, %mul3A_6, %sub3A_11 : vector<2x2560x128xi1>, vector<2x2560x128xi32>
    %reshape3A_12 = vector.shape_cast %select_n3A : vector<2x2560x128xi32> to vector<2x32x80x128xi32>
    %swap3A = arith.constant 0 : index
    %swap3A_13 = arith.constant 0 : index
    %swap3A_14 = arith.constant 0 : index
    %swap3A_15 = arith.constant 0 : index
    %swap3A_16 = vector.load %arg1[%swap3A, %swap3A_13, %swap3A_14, %swap3A_15] : memref<2x32x80x128xi32, #tpu.memory_space<vmem>>, vector<2x32x80x128xi32>
    tpu.vector_store %arg1[%swap3A, %swap3A_13, %swap3A_14, %swap3A_15], %reshape3A_12 {strides = array<i32>} : memref<2x32x80x128xi32, #tpu.memory_space<vmem>>, vector<2x32x80x128xi32>,
    return
  }
}

module attributes {stable_mosaic.version = 14 : i64} {
  func.func @_tc_scale(%arg0: i32, %arg1: memref<2x2x512xf32, #tpu.memory_space<vmem>>, %arg2: memref<512x64xf32, #tpu.memory_space<vmem>>, %arg3: memref<512x64xf32, #tpu.memory_space<vmem>>, %arg4: memref<512x128xbf16, #tpu.memory_space<vmem>>) attributes {dimension_semantics = [#tpu.dimension_semantics<arbitrary>], iteration_bounds = array<i64: 10>, scalar_prefetch = 0 : i64, scratch_operands = 0 : i64, tpu.core_type = #tpu.core_type<tc>, window_params = [{transform_indices = @transform_0, window_bounds = array<i64: 2, 2, 512>}, {transform_indices = @transform_1, window_bounds = array<i64: 512, 64>}, {transform_indices = @transform_2, window_bounds = array<i64: 512, 64>}, {transform_indices = @transform_3, window_bounds = array<i64: 512, 128>}]} {
    %get3A = arith.constant 0 : index
    %get3A_0 = arith.constant 0 : index
    %get3A_1 = vector.load %arg2[%get3A, %get3A_0] : memref<512x64xf32, #tpu.memory_space<vmem>>, vector<512x64xf32>
    %get3A_2 = arith.constant 0 : index
    %get3A_3 = arith.constant 0 : index
    %get3A_4 = vector.load %arg3[%get3A_2, %get3A_3] : memref<512x64xf32, #tpu.memory_space<vmem>>, vector<512x64xf32>
    %concatenate3A = tpu.concatenate %get3A_1, %get3A_4 in 1 : vector<512x64xf32>, vector<512x64xf32> -> vector<512x128xf32>
    %get3A_5 = arith.constant 0 : index
    %get3A_6 = arith.constant 0 : index
    %get3A_7 = arith.constant 0 : index
    %get3A_8 = vector.load %arg1[%get3A_5, %get3A_6, %get3A_7] : memref<2x2x512xf32, #tpu.memory_space<vmem>>, vector<1x2x512xf32>
    %get3A_9 = vector.shape_cast %get3A_8 : vector<1x2x512xf32> to vector<2x512xf32>
    %get3A_10 = arith.constant 1 : index
    %get3A_11 = arith.constant 0 : index
    %get3A_12 = arith.constant 0 : index
    %get3A_13 = vector.load %arg1[%get3A_10, %get3A_11, %get3A_12] : memref<2x2x512xf32, #tpu.memory_space<vmem>>, vector<1x2x512xf32>
    %get3A_14 = vector.shape_cast %get3A_13 : vector<1x2x512xf32> to vector<2x512xf32>
    %add3A = arith.addf %get3A_9, %get3A_14 : vector<2x512xf32>
    %add3A_15 = arith.constant 1.000000e+00 : f32
    %add3A_16 = vector.broadcast %add3A_15 : f32 to vector<2x512xf32>
    %add3A_17 = arith.addf %add3A, %add3A_16 : vector<2x512xf32>
    %rsqrt3A = math.rsqrt %add3A_17 : vector<2x512xf32>
    %slice3A = vector.extract_strided_slice %rsqrt3A {offsets = [0, 0], sizes = [1, 512], strides = [1, 1]} : vector<2x512xf32> to vector<1x512xf32>
    %squeeze3A = vector.shape_cast %slice3A : vector<1x512xf32> to vector<512xf32>
    %broadcast_in_dim3A = vector.shape_cast %squeeze3A : vector<512xf32> to vector<512x1xf32>
    %broadcast_in_dim3A_18 = vector.shape_cast %broadcast_in_dim3A : vector<512x1xf32> to vector<512x1xf32>
    %broadcast_in_dim3A_19 = vector.broadcast %broadcast_in_dim3A_18 : vector<512x1xf32> to vector<512x64xf32>
    %slice3A_20 = vector.extract_strided_slice %rsqrt3A {offsets = [1, 0], sizes = [1, 512], strides = [1, 1]} : vector<2x512xf32> to vector<1x512xf32>
    %squeeze3A_21 = vector.shape_cast %slice3A_20 : vector<1x512xf32> to vector<512xf32>
    %broadcast_in_dim3A_22 = vector.shape_cast %squeeze3A_21 : vector<512xf32> to vector<512x1xf32>
    %broadcast_in_dim3A_23 = vector.shape_cast %broadcast_in_dim3A_22 : vector<512x1xf32> to vector<512x1xf32>
    %broadcast_in_dim3A_24 = vector.broadcast %broadcast_in_dim3A_23 : vector<512x1xf32> to vector<512x64xf32>
    %concatenate3A_25 = tpu.concatenate %broadcast_in_dim3A_19, %broadcast_in_dim3A_24 in 1 : vector<512x64xf32>, vector<512x64xf32> -> vector<512x128xf32>
    %mul3A = arith.mulf %concatenate3A_25, %concatenate3A : vector<512x128xf32>
    %convert_element_type3A = arith.truncf %mul3A : vector<512x128xf32> to vector<512x128xbf16>
    %swap3A = arith.constant 0 : index
    %swap3A_26 = arith.constant 0 : index
    %swap3A_27 = vector.load %arg4[%swap3A, %swap3A_26] : memref<512x128xbf16, #tpu.memory_space<vmem>>, vector<512x128xbf16>
    tpu.vector_store %arg4[%swap3A, %swap3A_26], %convert_element_type3A {strides = array<i32>} : memref<512x128xbf16, #tpu.memory_space<vmem>>, vector<512x128xbf16>,
    return
  }
  func.func @transform_0(%arg0: i32) -> (i32, i32, i32) {
    %c0_i32 = arith.constant 0 : i32
    %c0_i32_0 = arith.constant 0 : i32
    %c0_i32_1 = arith.constant 0 : i32
    return %c0_i32, %c0_i32_0, %arg0 : i32, i32, i32
  }
  func.func @transform_1(%arg0: i32) -> (i32, i32) {
    %c0_i32 = arith.constant 0 : i32
    %c0_i32_0 = arith.constant 0 : i32
    return %arg0, %c0_i32 : i32, i32
  }
  func.func @transform_2(%arg0: i32) -> (i32, i32) {
    %add3A = arith.constant 10 : i32
    %add3A_0 = arith.addi %arg0, %add3A : i32
    %c0_i32 = arith.constant 0 : i32
    %c0_i32_1 = arith.constant 0 : i32
    return %add3A_0, %c0_i32 : i32, i32
  }
  func.func @transform_3(%arg0: i32) -> (i32, i32) {
    %c0_i32 = arith.constant 0 : i32
    %c0_i32_0 = arith.constant 0 : i32
    return %arg0, %c0_i32 : i32, i32
  }
}

module attributes {stable_mosaic.version = 14 : i64} {
  func.func @_tc_mid(%arg0: i32, %arg1: memref<2x512x128xbf16, #tpu.memory_space<vmem>>, %arg2: memref<512x128xbf16, #tpu.memory_space<vmem>>, %arg3: memref<2x2x512xf32, #tpu.memory_space<vmem>>, %arg4: memref<128x128xf32, #tpu.memory_space<vmem>>, %arg5: memref<1x128xf32, #tpu.memory_space<vmem>>, %arg6: memref<512x128xbf16, #tpu.memory_space<vmem>>) attributes {dimension_semantics = [#tpu.dimension_semantics<arbitrary>], iteration_bounds = array<i64: 10>, scalar_prefetch = 0 : i64, scratch_operands = 0 : i64, tpu.core_type = #tpu.core_type<tc>, window_params = [{transform_indices = @transform_0, window_bounds = array<i64: 2, 512, 128>}, {transform_indices = @transform_1, window_bounds = array<i64: 512, 128>}, {transform_indices = @transform_2, window_bounds = array<i64: 2, 2, 512>}, {pipeline_mode = #tpu.pipeline_mode<synchronous>, transform_indices = @transform_3, window_bounds = array<i64: 128, 128>}, {pipeline_mode = #tpu.pipeline_mode<synchronous>, transform_indices = @transform_4, window_bounds = array<i64: 1, 128>}, {transform_indices = @transform_5, window_bounds = array<i64: 512, 128>}]} {
    %get3A = arith.constant 0 : index
    %get3A_0 = arith.constant 0 : index
    %get3A_1 = arith.constant 0 : index
    %get3A_2 = vector.load %arg3[%get3A, %get3A_0, %get3A_1] : memref<2x2x512xf32, #tpu.memory_space<vmem>>, vector<1x2x512xf32>
    %get3A_3 = vector.shape_cast %get3A_2 : vector<1x2x512xf32> to vector<2x512xf32>
    %get3A_4 = arith.constant 1 : index
    %get3A_5 = arith.constant 0 : index
    %get3A_6 = arith.constant 0 : index
    %get3A_7 = vector.load %arg3[%get3A_4, %get3A_5, %get3A_6] : memref<2x2x512xf32, #tpu.memory_space<vmem>>, vector<1x2x512xf32>
    %get3A_8 = vector.shape_cast %get3A_7 : vector<1x2x512xf32> to vector<2x512xf32>
    %add3A = arith.addf %get3A_3, %get3A_8 : vector<2x512xf32>
    %add3A_9 = arith.constant 1.000000e+00 : f32
    %add3A_10 = vector.broadcast %add3A_9 : f32 to vector<2x512xf32>
    %add3A_11 = arith.addf %add3A, %add3A_10 : vector<2x512xf32>
    %rsqrt3A = math.rsqrt %add3A_11 : vector<2x512xf32>
    %slice3A = vector.extract_strided_slice %rsqrt3A {offsets = [0, 0], sizes = [1, 512], strides = [1, 1]} : vector<2x512xf32> to vector<1x512xf32>
    %squeeze3A = vector.shape_cast %slice3A : vector<1x512xf32> to vector<512xf32>
    %broadcast_in_dim3A = vector.shape_cast %squeeze3A : vector<512xf32> to vector<512x1xf32>
    %broadcast_in_dim3A_12 = vector.shape_cast %broadcast_in_dim3A : vector<512x1xf32> to vector<512x1xf32>
    %broadcast_in_dim3A_13 = vector.broadcast %broadcast_in_dim3A_12 : vector<512x1xf32> to vector<512x64xf32>
    %slice3A_14 = vector.extract_strided_slice %rsqrt3A {offsets = [1, 0], sizes = [1, 512], strides = [1, 1]} : vector<2x512xf32> to vector<1x512xf32>
    %squeeze3A_15 = vector.shape_cast %slice3A_14 : vector<1x512xf32> to vector<512xf32>
    %broadcast_in_dim3A_16 = vector.shape_cast %squeeze3A_15 : vector<512xf32> to vector<512x1xf32>
    %broadcast_in_dim3A_17 = vector.shape_cast %broadcast_in_dim3A_16 : vector<512x1xf32> to vector<512x1xf32>
    %broadcast_in_dim3A_18 = vector.broadcast %broadcast_in_dim3A_17 : vector<512x1xf32> to vector<512x64xf32>
    %concatenate3A = tpu.concatenate %broadcast_in_dim3A_13, %broadcast_in_dim3A_18 in 1 : vector<512x64xf32>, vector<512x64xf32> -> vector<512x128xf32>
    %get3A_19 = arith.constant 0 : index
    %get3A_20 = arith.constant 0 : index
    %get3A_21 = arith.constant 0 : index
    %get3A_22 = vector.load %arg1[%get3A_19, %get3A_20, %get3A_21] : memref<2x512x128xbf16, #tpu.memory_space<vmem>>, vector<1x512x128xbf16>
    %get3A_23 = vector.shape_cast %get3A_22 : vector<1x512x128xbf16> to vector<512x128xbf16>
    %convert_element_type3A = arith.extf %get3A_23 : vector<512x128xbf16> to vector<512x128xf32>
    %get3A_24 = arith.constant 1 : index
    %get3A_25 = arith.constant 0 : index
    %get3A_26 = arith.constant 0 : index
    %get3A_27 = vector.load %arg1[%get3A_24, %get3A_25, %get3A_26] : memref<2x512x128xbf16, #tpu.memory_space<vmem>>, vector<1x512x128xbf16>
    %get3A_28 = vector.shape_cast %get3A_27 : vector<1x512x128xbf16> to vector<512x128xbf16>
    %convert_element_type3A_29 = arith.extf %get3A_28 : vector<512x128xbf16> to vector<512x128xf32>
    %add3A_30 = arith.addf %convert_element_type3A, %convert_element_type3A_29 : vector<512x128xf32>
    %get3A_31 = arith.constant 0 : index
    %get3A_32 = arith.constant 0 : index
    %get3A_33 = vector.load %arg2[%get3A_31, %get3A_32] : memref<512x128xbf16, #tpu.memory_space<vmem>>, vector<512x128xbf16>
    %convert_element_type3A_34 = arith.extf %get3A_33 : vector<512x128xbf16> to vector<512x128xf32>
    %add3A_35 = arith.addf %add3A_30, %convert_element_type3A_34 : vector<512x128xf32>
    %mul3A = arith.mulf %concatenate3A, %add3A_35 : vector<512x128xf32>
    %get3A_36 = arith.constant 0 : index
    %get3A_37 = arith.constant 0 : index
    %get3A_38 = vector.load %arg5[%get3A_36, %get3A_37] : memref<1x128xf32, #tpu.memory_space<vmem>>, vector<1x128xf32>
    %add3A_39 = vector.broadcast %get3A_38 : vector<1x128xf32> to vector<512x128xf32>
    %add3A_40 = arith.addf %mul3A, %add3A_39 : vector<512x128xf32>
    %max3A = arith.constant 0.000000e+00 : f32
    %max3A_41 = vector.broadcast %max3A : f32 to vector<512x128xf32>
    %max3A_42 = arith.maximumf %add3A_40, %max3A_41 : vector<512x128xf32>
    %get3A_43 = arith.constant 0 : index
    %get3A_44 = arith.constant 0 : index
    %get3A_45 = vector.load %arg4[%get3A_43, %get3A_44] : memref<128x128xf32, #tpu.memory_space<vmem>>, vector<128x128xf32>
    %dot_general3A = arith.constant dense<0.000000e+00> : vector<512x128xf32>
    %dot_general3A_46 = tpu.matmul %max3A_42, %get3A_45, %dot_general3A {dimension_numbers = #tpu.dot_dimension_numbers<[1], [0], [0], [1], [0, 0, 1, 1], [], []>, transpose_lhs_hint = false} : vector<512x128xf32>, vector<128x128xf32>, vector<512x128xf32> -> vector<512x128xf32>
    %mul3A_47 = arith.mulf %concatenate3A, %dot_general3A_46 : vector<512x128xf32>
    %convert_element_type3A_48 = arith.truncf %mul3A_47 : vector<512x128xf32> to vector<512x128xbf16>
    %swap3A = arith.constant 0 : index
    %swap3A_49 = arith.constant 0 : index
    %swap3A_50 = vector.load %arg6[%swap3A, %swap3A_49] : memref<512x128xbf16, #tpu.memory_space<vmem>>, vector<512x128xbf16>
    tpu.vector_store %arg6[%swap3A, %swap3A_49], %convert_element_type3A_48 {strides = array<i32>} : memref<512x128xbf16, #tpu.memory_space<vmem>>, vector<512x128xbf16>,
    return
  }
  func.func @transform_0(%arg0: i32) -> (i32, i32, i32) {
    %c0_i32 = arith.constant 0 : i32
    %c0_i32_0 = arith.constant 0 : i32
    %c0_i32_1 = arith.constant 0 : i32
    return %c0_i32, %arg0, %c0_i32_0 : i32, i32, i32
  }
  func.func @transform_1(%arg0: i32) -> (i32, i32) {
    %c0_i32 = arith.constant 0 : i32
    %c0_i32_0 = arith.constant 0 : i32
    return %arg0, %c0_i32 : i32, i32
  }
  func.func @transform_2(%arg0: i32) -> (i32, i32, i32) {
    %c0_i32 = arith.constant 0 : i32
    %c0_i32_0 = arith.constant 0 : i32
    %c0_i32_1 = arith.constant 0 : i32
    return %c0_i32, %c0_i32_0, %arg0 : i32, i32, i32
  }
  func.func @transform_3(%arg0: i32) -> (i32, i32) {
    %c0_i32 = arith.constant 0 : i32
    %c0_i32_0 = arith.constant 0 : i32
    %c0_i32_1 = arith.constant 0 : i32
    return %c0_i32, %c0_i32_0 : i32, i32
  }
  func.func @transform_4(%arg0: i32) -> (i32, i32) {
    %c0_i32 = arith.constant 0 : i32
    %c0_i32_0 = arith.constant 0 : i32
    %c0_i32_1 = arith.constant 0 : i32
    return %c0_i32, %c0_i32_0 : i32, i32
  }
  func.func @transform_5(%arg0: i32) -> (i32, i32) {
    %c0_i32 = arith.constant 0 : i32
    %c0_i32_0 = arith.constant 0 : i32
    return %arg0, %c0_i32 : i32, i32
  }
}

module attributes {stable_mosaic.version = 14 : i64} {
  func.func @_tc_out(%arg0: i32, %arg1: memref<2x512x128xbf16, #tpu.memory_space<vmem>>, %arg2: memref<512x128xbf16, #tpu.memory_space<vmem>>, %arg3: memref<2x2x512xf32, #tpu.memory_space<vmem>>, %arg4: memref<1x128xf32, #tpu.memory_space<vmem>>, %arg5: memref<512x40xf32, #tpu.memory_space<vmem>>, %arg6: memref<512x40xf32, #tpu.memory_space<vmem>>) attributes {dimension_semantics = [#tpu.dimension_semantics<arbitrary>], iteration_bounds = array<i64: 10>, scalar_prefetch = 0 : i64, scratch_operands = 0 : i64, tpu.core_type = #tpu.core_type<tc>, window_params = [{transform_indices = @transform_0, window_bounds = array<i64: 2, 512, 128>}, {transform_indices = @transform_1, window_bounds = array<i64: 512, 128>}, {transform_indices = @transform_2, window_bounds = array<i64: 2, 2, 512>}, {pipeline_mode = #tpu.pipeline_mode<synchronous>, transform_indices = @transform_3, window_bounds = array<i64: 1, 128>}, {transform_indices = @transform_4, window_bounds = array<i64: 512, 40>}, {transform_indices = @transform_5, window_bounds = array<i64: 512, 40>}]} {
    %get3A = arith.constant 0 : index
    %get3A_0 = arith.constant 0 : index
    %get3A_1 = arith.constant 0 : index
    %get3A_2 = vector.load %arg3[%get3A, %get3A_0, %get3A_1] : memref<2x2x512xf32, #tpu.memory_space<vmem>>, vector<1x2x512xf32>
    %get3A_3 = vector.shape_cast %get3A_2 : vector<1x2x512xf32> to vector<2x512xf32>
    %get3A_4 = arith.constant 1 : index
    %get3A_5 = arith.constant 0 : index
    %get3A_6 = arith.constant 0 : index
    %get3A_7 = vector.load %arg3[%get3A_4, %get3A_5, %get3A_6] : memref<2x2x512xf32, #tpu.memory_space<vmem>>, vector<1x2x512xf32>
    %get3A_8 = vector.shape_cast %get3A_7 : vector<1x2x512xf32> to vector<2x512xf32>
    %add3A = arith.addf %get3A_3, %get3A_8 : vector<2x512xf32>
    %add3A_9 = arith.constant 1.000000e+00 : f32
    %add3A_10 = vector.broadcast %add3A_9 : f32 to vector<2x512xf32>
    %add3A_11 = arith.addf %add3A, %add3A_10 : vector<2x512xf32>
    %rsqrt3A = math.rsqrt %add3A_11 : vector<2x512xf32>
    %slice3A = vector.extract_strided_slice %rsqrt3A {offsets = [0, 0], sizes = [1, 512], strides = [1, 1]} : vector<2x512xf32> to vector<1x512xf32>
    %squeeze3A = vector.shape_cast %slice3A : vector<1x512xf32> to vector<512xf32>
    %broadcast_in_dim3A = vector.shape_cast %squeeze3A : vector<512xf32> to vector<512x1xf32>
    %broadcast_in_dim3A_12 = vector.shape_cast %broadcast_in_dim3A : vector<512x1xf32> to vector<512x1xf32>
    %broadcast_in_dim3A_13 = vector.broadcast %broadcast_in_dim3A_12 : vector<512x1xf32> to vector<512x64xf32>
    %slice3A_14 = vector.extract_strided_slice %rsqrt3A {offsets = [1, 0], sizes = [1, 512], strides = [1, 1]} : vector<2x512xf32> to vector<1x512xf32>
    %squeeze3A_15 = vector.shape_cast %slice3A_14 : vector<1x512xf32> to vector<512xf32>
    %broadcast_in_dim3A_16 = vector.shape_cast %squeeze3A_15 : vector<512xf32> to vector<512x1xf32>
    %broadcast_in_dim3A_17 = vector.shape_cast %broadcast_in_dim3A_16 : vector<512x1xf32> to vector<512x1xf32>
    %broadcast_in_dim3A_18 = vector.broadcast %broadcast_in_dim3A_17 : vector<512x1xf32> to vector<512x64xf32>
    %concatenate3A = tpu.concatenate %broadcast_in_dim3A_13, %broadcast_in_dim3A_18 in 1 : vector<512x64xf32>, vector<512x64xf32> -> vector<512x128xf32>
    %get3A_19 = arith.constant 0 : index
    %get3A_20 = arith.constant 0 : index
    %get3A_21 = arith.constant 0 : index
    %get3A_22 = vector.load %arg1[%get3A_19, %get3A_20, %get3A_21] : memref<2x512x128xbf16, #tpu.memory_space<vmem>>, vector<1x512x128xbf16>
    %get3A_23 = vector.shape_cast %get3A_22 : vector<1x512x128xbf16> to vector<512x128xbf16>
    %convert_element_type3A = arith.extf %get3A_23 : vector<512x128xbf16> to vector<512x128xf32>
    %get3A_24 = arith.constant 1 : index
    %get3A_25 = arith.constant 0 : index
    %get3A_26 = arith.constant 0 : index
    %get3A_27 = vector.load %arg1[%get3A_24, %get3A_25, %get3A_26] : memref<2x512x128xbf16, #tpu.memory_space<vmem>>, vector<1x512x128xbf16>
    %get3A_28 = vector.shape_cast %get3A_27 : vector<1x512x128xbf16> to vector<512x128xbf16>
    %convert_element_type3A_29 = arith.extf %get3A_28 : vector<512x128xbf16> to vector<512x128xf32>
    %add3A_30 = arith.addf %convert_element_type3A, %convert_element_type3A_29 : vector<512x128xf32>
    %get3A_31 = arith.constant 0 : index
    %get3A_32 = arith.constant 0 : index
    %get3A_33 = vector.load %arg2[%get3A_31, %get3A_32] : memref<512x128xbf16, #tpu.memory_space<vmem>>, vector<512x128xbf16>
    %convert_element_type3A_34 = arith.extf %get3A_33 : vector<512x128xbf16> to vector<512x128xf32>
    %add3A_35 = arith.addf %add3A_30, %convert_element_type3A_34 : vector<512x128xf32>
    %mul3A = arith.mulf %concatenate3A, %add3A_35 : vector<512x128xf32>
    %get3A_36 = arith.constant 0 : index
    %get3A_37 = arith.constant 0 : index
    %get3A_38 = vector.load %arg4[%get3A_36, %get3A_37] : memref<1x128xf32, #tpu.memory_space<vmem>>, vector<1x128xf32>
    %add3A_39 = vector.broadcast %get3A_38 : vector<1x128xf32> to vector<512x128xf32>
    %add3A_40 = arith.addf %mul3A, %add3A_39 : vector<512x128xf32>
    %slice3A_41 = vector.extract_strided_slice %add3A_40 {offsets = [0, 0], sizes = [512, 64], strides = [1, 1]} : vector<512x128xf32> to vector<512x64xf32>
    %iota3A = tpu.iota {dimensions = array<i32: 1>} : vector<512x64xi32>
    %lt3A = arith.constant 40 : i32
    %lt3A_42 = vector.broadcast %lt3A : i32 to vector<512x64xi32>
    %lt3A_43 = arith.cmpi slt, %iota3A, %lt3A_42 : vector<512x64xi32>
    %jit3A = arith.constant -3.000000e+38 : f32
    %broadcast_in_dim3A_44 = vector.broadcast %jit3A : f32 to vector<512x64xf32>
    %select_n3A = arith.select %lt3A_43, %slice3A_41, %broadcast_in_dim3A_44 : vector<512x64xi1>, vector<512x64xf32>
    %reduce_max3A = arith.constant dense<0xFF800000> : vector<512xf32>
    %reduce_max3A_45 = vector.multi_reduction <maximumf>, %select_n3A, %reduce_max3A [1] : vector<512x64xf32> to vector<512xf32>
    %broadcast_in_dim3A_46 = vector.shape_cast %reduce_max3A_45 : vector<512xf32> to vector<512x1xf32>
    %sub3A = vector.broadcast %broadcast_in_dim3A_46 : vector<512x1xf32> to vector<512x64xf32>
    %sub3A_47 = arith.subf %slice3A_41, %sub3A : vector<512x64xf32>
    %exp3A = math.exp %sub3A_47 : vector<512x64xf32>
    %jit3A_48 = arith.constant 0.000000e+00 : f32
    %broadcast_in_dim3A_49 = vector.broadcast %jit3A_48 : f32 to vector<512x64xf32>
    %select_n3A_50 = arith.select %lt3A_43, %exp3A, %broadcast_in_dim3A_49 : vector<512x64xi1>, vector<512x64xf32>
    %reduce_sum3A = arith.constant dense<0.000000e+00> : vector<512xf32>
    %reduce_sum3A_51 = vector.multi_reduction <add>, %select_n3A_50, %reduce_sum3A [1] : vector<512x64xf32> to vector<512xf32>
    %broadcast_in_dim3A_52 = vector.shape_cast %reduce_sum3A_51 : vector<512xf32> to vector<512x1xf32>
    %sub3A_53 = vector.broadcast %broadcast_in_dim3A_46 : vector<512x1xf32> to vector<512x64xf32>
    %sub3A_54 = arith.subf %slice3A_41, %sub3A_53 : vector<512x64xf32>
    %log3A = math.log %broadcast_in_dim3A_52 : vector<512x1xf32>
    %sub3A_55 = vector.broadcast %log3A : vector<512x1xf32> to vector<512x64xf32>
    %sub3A_56 = arith.subf %sub3A_54, %sub3A_55 : vector<512x64xf32>
    %slice3A_57 = vector.extract_strided_slice %sub3A_56 {offsets = [0, 0], sizes = [512, 40], strides = [1, 1]} : vector<512x64xf32> to vector<512x40xf32>
    %swap3A = arith.constant 0 : index
    %swap3A_58 = arith.constant 0 : index
    %swap3A_59 = vector.load %arg5[%swap3A, %swap3A_58] : memref<512x40xf32, #tpu.memory_space<vmem>>, vector<512x40xf32>
    tpu.vector_store %arg5[%swap3A, %swap3A_58], %slice3A_57 {strides = array<i32>} : memref<512x40xf32, #tpu.memory_space<vmem>>, vector<512x40xf32>,
    %slice3A_60 = vector.extract_strided_slice %add3A_40 {offsets = [0, 64], sizes = [512, 64], strides = [1, 1]} : vector<512x128xf32> to vector<512x64xf32>
    %iota3A_61 = tpu.iota {dimensions = array<i32: 1>} : vector<512x64xi32>
    %lt3A_62 = arith.constant 40 : i32
    %lt3A_63 = vector.broadcast %lt3A_62 : i32 to vector<512x64xi32>
    %lt3A_64 = arith.cmpi slt, %iota3A_61, %lt3A_63 : vector<512x64xi32>
    %jit3A_65 = arith.constant -3.000000e+38 : f32
    %broadcast_in_dim3A_66 = vector.broadcast %jit3A_65 : f32 to vector<512x64xf32>
    %select_n3A_67 = arith.select %lt3A_64, %slice3A_60, %broadcast_in_dim3A_66 : vector<512x64xi1>, vector<512x64xf32>
    %reduce_max3A_68 = arith.constant dense<0xFF800000> : vector<512xf32>
    %reduce_max3A_69 = vector.multi_reduction <maximumf>, %select_n3A_67, %reduce_max3A_68 [1] : vector<512x64xf32> to vector<512xf32>
    %broadcast_in_dim3A_70 = vector.shape_cast %reduce_max3A_69 : vector<512xf32> to vector<512x1xf32>
    %sub3A_71 = vector.broadcast %broadcast_in_dim3A_70 : vector<512x1xf32> to vector<512x64xf32>
    %sub3A_72 = arith.subf %slice3A_60, %sub3A_71 : vector<512x64xf32>
    %exp3A_73 = math.exp %sub3A_72 : vector<512x64xf32>
    %jit3A_74 = arith.constant 0.000000e+00 : f32
    %broadcast_in_dim3A_75 = vector.broadcast %jit3A_74 : f32 to vector<512x64xf32>
    %select_n3A_76 = arith.select %lt3A_64, %exp3A_73, %broadcast_in_dim3A_75 : vector<512x64xi1>, vector<512x64xf32>
    %reduce_sum3A_77 = arith.constant dense<0.000000e+00> : vector<512xf32>
    %reduce_sum3A_78 = vector.multi_reduction <add>, %select_n3A_76, %reduce_sum3A_77 [1] : vector<512x64xf32> to vector<512xf32>
    %broadcast_in_dim3A_79 = vector.shape_cast %reduce_sum3A_78 : vector<512xf32> to vector<512x1xf32>
    %sub3A_80 = vector.broadcast %broadcast_in_dim3A_70 : vector<512x1xf32> to vector<512x64xf32>
    %sub3A_81 = arith.subf %slice3A_60, %sub3A_80 : vector<512x64xf32>
    %log3A_82 = math.log %broadcast_in_dim3A_79 : vector<512x1xf32>
    %sub3A_83 = vector.broadcast %log3A_82 : vector<512x1xf32> to vector<512x64xf32>
    %sub3A_84 = arith.subf %sub3A_81, %sub3A_83 : vector<512x64xf32>
    %slice3A_85 = vector.extract_strided_slice %sub3A_84 {offsets = [0, 0], sizes = [512, 40], strides = [1, 1]} : vector<512x64xf32> to vector<512x40xf32>
    %swap3A_86 = arith.constant 0 : index
    %swap3A_87 = arith.constant 0 : index
    %swap3A_88 = vector.load %arg6[%swap3A_86, %swap3A_87] : memref<512x40xf32, #tpu.memory_space<vmem>>, vector<512x40xf32>
    tpu.vector_store %arg6[%swap3A_86, %swap3A_87], %slice3A_85 {strides = array<i32>} : memref<512x40xf32, #tpu.memory_space<vmem>>, vector<512x40xf32>,
    return
  }
  func.func @transform_0(%arg0: i32) -> (i32, i32, i32) {
    %c0_i32 = arith.constant 0 : i32
    %c0_i32_0 = arith.constant 0 : i32
    %c0_i32_1 = arith.constant 0 : i32
    return %c0_i32, %arg0, %c0_i32_0 : i32, i32, i32
  }
  func.func @transform_1(%arg0: i32) -> (i32, i32) {
    %c0_i32 = arith.constant 0 : i32
    %c0_i32_0 = arith.constant 0 : i32
    return %arg0, %c0_i32 : i32, i32
  }
  func.func @transform_2(%arg0: i32) -> (i32, i32, i32) {
    %c0_i32 = arith.constant 0 : i32
    %c0_i32_0 = arith.constant 0 : i32
    %c0_i32_1 = arith.constant 0 : i32
    return %c0_i32, %c0_i32_0, %arg0 : i32, i32, i32
  }
  func.func @transform_3(%arg0: i32) -> (i32, i32) {
    %c0_i32 = arith.constant 0 : i32
    %c0_i32_0 = arith.constant 0 : i32
    %c0_i32_1 = arith.constant 0 : i32
    return %c0_i32, %c0_i32_0 : i32, i32
  }
  func.func @transform_4(%arg0: i32) -> (i32, i32) {
    %c0_i32 = arith.constant 0 : i32
    %c0_i32_0 = arith.constant 0 : i32
    return %arg0, %c0_i32 : i32, i32
  }
  func.func @transform_5(%arg0: i32) -> (i32, i32) {
    %c0_i32 = arith.constant 0 : i32
    %c0_i32_0 = arith.constant 0 : i32
    return %arg0, %c0_i32 : i32, i32
  }
}

</mosaic_0001>

<sc_bundles>
// kernel: kernel.10.cloned.1.call-start
scs
__scs_entry_jumppad:
0x0: {  	(pc) =	sbr.rel $0x88, $3  }
0x1: {  	(tag) =	ssettag $0x0;
	lr =	simm.s32 $0x1  }
0x2: {  	[smem:$0x3F9B] =	sst lr;
	_ =	strace $0xD0000000  }
0x3: {  	_ = 	snop  }
0x4: {  	_ = 	snop  }
0x5: {  	_ = 	snop  }
0x6: {  	_ = 	snop  }
0x7: {  	_ = 	snop  }
__scs_overlays_trampoline_lowered:
0x8: {  	[smem:$0x3FAA] =	sst s0  }
0x9: {  	[smem:$0x3FAB] =	sst s1  }
0xa: {  	[smem:$0x3FAC] =	sst s2  }
0xb: {  	[smem:$0x3FAD] =	sst s3  }
0xc: {  	[smem:$0x3FAE] =	sst s4  }
0xd: {  	[smem:$0x3FAF] =	sst s5  }
0xe: {  	[smem:$0x3FB0] =	sst s6  }
0xf: {  	[smem:$0x3FB1] =	sst s7  }
0x10: {  	[smem:$0x3FB2] =	sst s8  }
0x11: {  	[smem:$0x3FB3] =	sst s9;
	s0 =	simm.s32 @!p0 $0x0  }
0x12: {  	s1 =	sld [smem:$0x3F99];
	s0 =	simm.s32 @p0 $0x1  }
0x13: {  	[smem:$0x3FB4] =	sst s0;
	s0 =	simm.s32 @!p1 $0x0  }
0x14: {  	s2 =	sld [smem:$0x3F98];
	s0 =	simm.s32 @p1 $0x1  }
0x15: {  	[smem:$0x3FB5] =	sst s0;
	s0 =	simm.s32 @!p2 $0x0  }
0x16: {  	s3 =	sld [smem:$0x3FDB];
	s0 =	simm.s32 @p2 $0x1  }
0x17: {  	s4 =	simm.s32 $0x1BF5;
	[smem:$0x3FB7] =	sst s0  }
0x18: {  	s0 =	sld [smem:$0x3F9A];
	_ =	swait.ge [sflag:s4], $0x0  }
0x19: {  	s7 =	sld [smem:$0x3F9B]  }
0x1a: {  	s8 =	sadd.s32 $0xFFFFE003, lr  }
0x1b: {  	s9 =	sadd.s32 $0xFFFFFEF7, lr;
	s5 =	simm.s32 $0xFFFFFFFF;
	p2 =	slt.u32 s8, $0xFFFFF086  }
0x1c: {  	p1 =	slt.u32 s9, $0xF7A;
	s5 =	simm.s32 @!p2 $0x0  }
0x1d: {  	s5 =	simm.s32 @p1 $0x1;
	p0 =	seq.s32 s7, s2  }
0x1e: {  	s7 =	smul.u32 @!p0 $0xF7A, s2;
	p2 =	seq.s32 @!p0 s5, $0x0  }
0x1f: {  	s9 =	smul.u32 $0xF7A, s1;
	s8 =	simm.s32 @!p0 $0x1BF5;
	p2 =	por !p2, p0  }
0x20: {  	[sflag:s8] =	ssyncset.s32 @!p0 $0xFFFFF086;
	s6 =	sadd.s32 @!p0 s3, s7;
	s7 =	simm.s32 @!p0 $0x108  }
0x21: {  	s3 =	sadd.s32 s3, s9;
	s6 =	sadd.s32 @!p0 $0x88, s6;
	s7 =	simm.s32 @p2 $0x1082  }
0x22: {  	[simem:s7], [sflag:s8] =	dma.local @!p0 [hbm:s6], $0xF7A  }
0x23: {  	s9 =	sor.u32 $0xD0000000, s2;
	s6 =	simm.s32 $0x108;
	_ =	swait.ge @!p0 [sflag:s8], $0x0  }
0x24: {  	s3 =	sadd.s32 $0x88, s3;
	s6 =	simm.s32 @!p1 $0x1082;
	[sflag:s4] =	ssyncset.s32 $0xFFFFF086  }
0x25: {  	[simem:s6], [sflag:s4] =	dma.local [hbm:s3], $0xF7A  }
0x26: {  	[smem:$0x3F9B] =	sst s1;
	(tag) =	ssettag s2;
	_ =	strace s9  }
0x27: {  	s1 =	sld [smem:$0x3FAB]  }
0x28: {  	s2 =	sld [smem:$0x3FAC]  }
0x29: {  	s4 =	sld [smem:$0x3FAE]  }
0x2a: {  	p0 =	seq.s32 s5, $0x0;
	s5 =	sld [smem:$0x3FAF]  }
0x2b: {  	s6 =	sld [smem:$0x3FB0]  }
0x2c: {  	s7 =	sld [smem:$0x3FB1]  }
0x2d: {  	s3 =	simm.s32 $0x108;
	s8 =	sld [smem:$0x3FB2]  }
0x2e: {  	s3 =	simm.s32 @!p0 $0x1082;
	s9 =	sld [smem:$0x3FB3]  }
0x2f: {  	lr =	sadd.s32 s0, s3;
	s0 =	sld [smem:$0x3FAA]  }
0x30: {  	s3 =	sld [smem:$0x3FAD]  }
0x31: {  	[smem:$0x3FB6] =	sst s10  }
0x32: {  	s10 =	sld [smem:$0x3FB4];
	_ =	sdelay $0x3  }
0x33: {  	p0 =	seq.s32 s10, $0x1;
	s10 =	sld [smem:$0x3FB6];
	_ =	sdelay $0x3  }
0x34: {  	[smem:$0x3FB6] =	sst s10  }
0x35: {  	s10 =	sld [smem:$0x3FB5];
	_ =	sdelay $0x3  }
0x36: {  	p1 =	seq.s32 s10, $0x1;
	s10 =	sld [smem:$0x3FB6];
	_ =	sdelay $0x3  }
0x37: {  	[smem:$0x3FB6] =	sst s10  }
0x38: {  	s10 =	sld [smem:$0x3FB7]  }
0x39: {  	_ = 	snop;
	(pc) =	sbr.ind lr, $3  }
0x3a: {  	_ = 	snop  }
0x3b: {  	_ = 	snop  }
0x3c: {  	p2 =	seq.s32 s10, $0x1;
	s10 =	sld [smem:$0x3FB6]  }
0x3d: {  	_ =	shalt  }
0x3e: {  	_ =	shalt  }
0x3f: {  	_ =	shalt  }
0x40: {  	_ =	shalt  }
0x41: {  	_ =	shalt  }
0x42: {  	_ =	shalt  }
0x43: {  	_ =	shalt  }
0x44: {  	_ =	shalt  }
0x45: {  	_ =	shalt  }
0x46: {  	_ =	shalt  }
0x47: {  	_ =	shalt  }
0x48: {  	_ =	shalt  }
0x49: {  	_ =	shalt  }
0x4a: {  	_ =	shalt  }
0x4b: {  	_ =	shalt  }
0x4c: {  	_ =	shalt  }
0x4d: {  	_ =	shalt  }
0x4e: {  	_ =	shalt  }
0x4f: {  	_ =	shalt  }
0x50: {  	_ =	shalt  }
0x51: {  	_ =	shalt  }
0x52: {  	_ =	shalt  }
0x53: {  	_ =	shalt  }
0x54: {  	_ =	shalt  }
0x55: {  	_ =	shalt  }
0x56: {  	_ =	shalt  }
0x57: {  	_ =	shalt  }
0x58: {  	_ =	shalt  }
0x59: {  	_ =	shalt  }
0x5a: {  	_ =	shalt  }
0x5b: {  	_ =	shalt  }
0x5c: {  	_ =	shalt  }
0x5d: {  	_ =	shalt  }
0x5e: {  	_ =	shalt  }
0x5f: {  	_ =	shalt  }
0x60: {  	_ =	shalt  }
0x61: {  	_ =	shalt  }
0x62: {  	_ =	shalt  }
0x63: {  	_ =	shalt  }
0x64: {  	_ =	shalt  }
0x65: {  	_ =	shalt  }
0x66: {  	_ =	shalt  }
0x67: {  	_ =	shalt  }
0x68: {  	_ =	shalt  }
0x69: {  	_ =	shalt  }
0x6a: {  	_ =	shalt  }
0x6b: {  	_ =	shalt  }
0x6c: {  	_ =	shalt  }
0x6d: {  	_ =	shalt  }
0x6e: {  	_ =	shalt  }
0x6f: {  	_ =	shalt  }
0x70: {  	_ =	shalt  }
0x71: {  	_ =	shalt  }
0x72: {  	_ =	shalt  }
0x73: {  	_ =	shalt  }
0x74: {  	_ =	shalt  }
0x75: {  	_ =	shalt  }
0x76: {  	_ =	shalt  }
0x77: {  	_ =	shalt  }
0x78: {  	_ =	shalt  }
0x79: {  	_ =	shalt  }
0x7a: {  	_ =	shalt  }
0x7b: {  	_ =	shalt  }
0x7c: {  	_ =	shalt  }
0x7d: {  	_ =	shalt  }
0x7e: {  	_ =	shalt  }
0x7f: {  	_ =	shalt  }
0x80: {  	_ =	shalt  }
0x81: {  	_ =	shalt  }
0x82: {  	_ =	shalt  }
0x83: {  	_ =	shalt  }
0x84: {  	_ =	shalt  }
0x85: {  	_ =	shalt  }
0x86: {  	_ =	shalt  }
0x87: {  	_ =	shalt  }
.Lfunc_end0:
.L_simem_size_0:
called_computation_lowered:
.L_overlay_start_0:
0x88: {  	s2 =	sld [smem:$0x3FD9]  }
0x89: {  	s3 =	sld [smem:$0x3FFE];
	_ =	sdelay $0x1  }
0x8a: {  	s1 =	srdreg.scid  }
0x8b: {  	s0 =	sand.u32 $0x1, s1  }
0x8c: {  	s17 =	sshll.u32 s0, $0xA;
	s2 =	sadd.s32 s3, s2  }
0x8d: {  	s2 =	sadd.s32 s2, s17  }
0x8e: {  	[smem:$0x3FC2] =	sst s2  }
0x8f: {  	_ = 	snop  }
0x90: {  	s2 =	sld [smem:$0x3FD0];
	(tm) =	ssettm $0x1  }
0x91: {  	s18 =	sld [smem:$0x3FFB];
	_ =	sdelay $0x3  }
0x92: {  	_ =	strace s18  }
0x93: {  	s3 =	sld [smem:$0x3FFC];
	_ =	sdelay $0x3  }
0x94: {  	_ =	strace s3  }
0x95: {  	s3 =	sld [smem:$0x3FFD];
	_ =	sdelay $0x3  }
0x96: {  	_ =	strace s3  }
0x97: {  	_ =	strace $0x8FFFFFFF  }
0x98: {  	s19 =	sld [smem:$0x3FDB];
	_ =	sdelay $0x1  }
0x99: {  	s4 =	simm.s32 $_scs_section_size  }
0x9a: {  	s5 =	simm.s32 $_size__tile_overlayer_lowered;
	s6 =	simm.s32 $_tile_overlayer_lowered  }
0x9b: {  	s22 =	simm.s32 $0x1BFF;
	s21 =	sshll.u32 s6, $0x1;
	s3 =	sadd.s32 s4, s19  }
0x9c: {  	s7 =	simm.s32 $0x0;
	s20 =	sshll.u32 s5, $0x1;
	s5 =	sadd.s32 s21, s3  }
0x9d: {  	[timem:s7], [sflag:s22] =	dma.local [hbm:s5], s20  }
0x9e: {  	_ =	swait.ge [sflag:s22], s20  }
0x9f: {  	s4 =	ssub.s32 $0x0, s20;
	[sflag:s22] =	ssyncset.done $0x0  }
0xa0: {  	[sflag:s22] =	ssyncadd.s32 s4;
	_ =	sdelay $0x1  }
0xa1: {  	s23 =	simm.s32 $0x1B8B  }
0xa2: {  	_ =	swait.ge [sflag:s23], $0x1  }
0xa3: {  	[sflag:s23] =	ssyncset.done $0x0  }
0xa4: {  	s25 =	simm.s32 $0x1B8E;
	s24 =	sld [smem:$0x3FFE];
	[sflag:s23] =	ssyncadd.s32 $0xFFFFFFFF  }
0xa5: {  	s26 =	simm.s32 $execute0_lowered;
	[smem:$0x3FD2] =	sst s25  }
0xa6: {  	s5 =	sshll.u32 s26, $0x1;
	_ =	strace $0x80000046;
	[dreg:$0x1] =	wrdreg $0xFFFFFFFF  }
0xa7: {  	s28 =	simm.s32 $_size_execute0_lowered;
	s3 =	sadd.s32 s3, s5;
	[dreg:$0x0] =	wrdreg $0x0  }
0xa8: {  	s5 =	sshll.u32 s28, $0x1;
	[dreg:$0x2] =	wrdreg s3  }
0xa9: {  	[dreg:$0x3] =	wrdreg s5  }
0xaa: {  	[dreg:$0x4] =	wrdreg $0xC0  }
0xab: {  	_ =	task [dreg:s7], $0x5FFFF  }
0xac: {  	[dreg:$0x1] =	wrdreg $0xFFFFFFFF  }
0xad: {  	[dreg:$0x0] =	wrdreg $0x60  }
0xae: {  	[dreg:$0x2] =	wrdreg s24  }
0xaf: {  	[dreg:$0x3] =	wrdreg s2  }
0xb0: {  	[dreg:$0x4] =	wrdreg $0x5A800  }
0xb1: {  	[dreg:$0x5] =	wrdreg $0x9  }
0xb2: {  	_ =	task.clear_ibuf [dreg:s7], $0x6FFFF;
	_ =	strace $0x90000046  }
0xb3: {  	s29 =	simm.s32 $0x9;
	_ =	strace $0x80000048  }
0xb4: {  	_ =	swait.ge [sflag:s29], $0x1  }
0xb5: {  	[sflag:s29] =	ssyncadd.s32 $0xFFFFFFFF  }
0xb6: {  	_ =	strace $0x90000048  }
0xb7: {  	_ =	sfence  }
0xb8: {  	s30 =	sld [smem:$0x0];
	_ =	sdelay $0x2  }
0xb9: {  	s31 =	sshll.u32 s1, $0xD;
	s1 =	sshrl.u32 s1, $0x2  }
0xba: {  	s3 =	sand.u32 $0x4000, s31;
	s1 =	sadd.s32 s1, s30  }
0xbb: {  	s0 =	sor.u32 s3, s0;
	s1 =	sshll.u32 s1, $0x11  }
0xbc: {  	s0 =	sor.u32 s1, s0  }
0xbd: {  	s0 =	sadd.s32 $0x8F2B, s0  }
0xbe: {  	[sflag:s0] =	ssyncadd.remote.s32 $0x1  }
0xbf: {  	_ =	sfence.sel $0xFFFF  }
0xc0: {  	[dreg:$0x0] =	wrdreg $0xFFFFFFFF;
	(pc) =	sbr.abs _section_cstart, $3  }
0xc1: {  	[dreg:$0x1] =	wrdreg $0xFFFFFFFF  }
0xc2: {  	_ =	task.clear_ibuf [dreg:s7], $0x2FFFF;
	_ =	strace $0x9FFFFFFF  }
0xc3: {  	(tm) =	ssettm $0x7FFFFFFF  }
tec
execute0_lowered:
.L_overlay_start_1:
0x0: {  	(tag) =	ssettag $0x1  }
0x1: {  	s5 =	rddreg [dreg:$0x0]  }
0x2: {  	s6 =	rddreg [dreg:$0x1]  }
0x3: {  	s0 =	srdreg.scid;
	s2 =	rddreg [dreg:$0x2];
	s3 =	simm.s32 $0x0  }
0x4: {  	s13 =	simm.s32 $0x2;
	s14 =	simm.s32 $0x2800;
	s15 =	simm.s32 $0x80  }
0x5: {  	s16 =	simm.s32 $0x1;
	s17 =	simm.s32 $0x3000;
	s18 =	simm.s32 $0x5800  }
0x6: {  	s19 =	simm.s32 $0x5940;
	s4 =	sand.u32 $0x1, s0;
	s0 =	stileid.u32  }
0x7: {  	s20 =	simm.s32 $0x0;
	[smem:$0x7FF] =	sst s3;
	s8 =	smul.u32 $0x2800, s4  }
0x8: {  	s1 =	sshll.u32 s4, $0x4;
	s4 =	ssub.s32 $0x2, s4;
	s9 =	smul.u32 $0x140, s0  }
0x9: {  	s11 =	smul.u32 $0xA000, s0;
	s1 =	sor.u32 s0, s1;
	s10 =	sshrl.u32 s4, $0x1  }
0xa: {  	s7 =	smul.u32 $0x2800, s1;
	s1 =	rddreg [dreg:$0x3];
	_ =	strace $0x80000047  }
0xb: {  	s8 =	sadd.s32 s9, s8;
	s28 =	ssub.s32 s4, s10;
	s31 =	sshrl.u32 s11, $0x2  }
0xc: {  	v0 =	vlaneseq.u32;
	s30 =	sshrl.u32 s8, $0x3;
	s8 =	smax.u32 s28, $0x1;
	s7 =	sshrl.u32 s7, $0x3  }
0xd: {  	v0 =	vmul.u32 $0x20, v0;
	s29 =	sadd.s32 s5, s7;
	s5 =	sadd.s32 s6, s30;
	s6 =	sadd.s32 s31, s2  }
0xe: {  	s4 =	sadd.s32 $0xC200, s29;
	s7 =	sadd.s32 $0x280, s5;
	s9 =	sadd.s32 $0x800, s6  }
0xf: {  	v1 =	vimm.f32 $0.0e+00;
	v2 =	vimm.f32 $1.000000000e+00;
	v3 =	vor.u32 $0x10, v0;
	s10 =	sadd.s32 $0x1000, s6;
	s11 =	sadd.s32 $0x1800, s6;
	s12 =	sadd.s32 $0x2000, s6  }
.LBB2_1:
0x10: {  	[tilespmem:s3], [sflag:$0x2] =	stream.linear.gather [hbm4b:s4+s3], $0x2800, $0x38;
	[tilespmem:$0x8280] =	vst v63  }
0x11: {  	_ =	swait.ge [sflag:s13], $0x2800  }
0x12: {  	[sflag:s13] =	ssyncset.done $0x0  }
0x13: {  	s21 =	simm.s32 $0x40;
	s22 =	simm.s32 $0x0;
	[sflag:s13] =	ssyncadd.s32 $0xFFFFD800  }
.LBB2_2:
0x14: {  	p0 =	sne.s32 s21, $0x1FC0;
	[tilespmem:s22+$0x2800] =	vst v1;
	s22 =	smov.u32 s21;
	s21 =	sadd.s32 $0x40, s21  }
.Ltmp0:
0x15: {  	(pc) =	sbr.rel @p0 .LBB2_2-.Ltmp0, $2  }
0x16: {  	_ =	sdelay $0x2  }
0x17: {  	s22 =	sshra.s32 s22, $0x2  }
0x18: {  	[tilespmem:s22+$0x2800] =	vst v1  }
0x19: {  	[spmem:s6] =	stream.linear.scatter [tilespmem:s14], [sflag:$0x2], $0x800, $0x38;
	[tilespmem:$0x8280] =	vst v63  }
0x1a: {  	_ =	swait.ge [sflag:s13], $0x800  }
0x1b: {  	[sflag:s13] =	ssyncset.done $0x0  }
0x1c: {  	[sflag:s13] =	ssyncadd.s32 $0xFFFFF800  }
0x1d: {  	[spmem:s9] =	stream.linear.scatter [tilespmem:s14], [sflag:$0x2], $0x800, $0x38;
	[tilespmem:$0x8280] =	vst v63  }
0x1e: {  	_ =	swait.ge [sflag:s13], $0x800  }
0x1f: {  	[sflag:s13] =	ssyncset.done $0x0  }
0x20: {  	[sflag:s13] =	ssyncadd.s32 $0xFFFFF800  }
0x21: {  	[spmem:s10] =	stream.linear.scatter [tilespmem:s14], [sflag:$0x2], $0x800, $0x38;
	[tilespmem:$0x8280] =	vst v63  }
0x22: {  	_ =	swait.ge [sflag:s13], $0x800  }
0x23: {  	[sflag:s13] =	ssyncset.done $0x0  }
0x24: {  	[sflag:s13] =	ssyncadd.s32 $0xFFFFF800  }
0x25: {  	[spmem:s11] =	stream.linear.scatter [tilespmem:s14], [sflag:$0x2], $0x800, $0x38;
	[tilespmem:$0x8280] =	vst v63  }
0x26: {  	_ =	swait.ge [sflag:s13], $0x800  }
0x27: {  	[sflag:s13] =	ssyncset.done $0x0  }
0x28: {  	[sflag:s13] =	ssyncadd.s32 $0xFFFFF800  }
0x29: {  	[spmem:s12] =	stream.linear.scatter [tilespmem:s14], [sflag:$0x2], $0x800, $0x38;
	[tilespmem:$0x8280] =	vst v63  }
0x2a: {  	_ =	swait.ge [sflag:s13], $0x800  }
0x2b: {  	[sflag:s13] =	ssyncset.done $0x0  }
0x2c: {  	s21 =	simm.s32 $0x40;
	s22 =	simm.s32 $0x0;
	[sflag:s13] =	ssyncadd.s32 $0xFFFFF800  }
.LBB2_4:
0x2d: {  	p0 =	sne.s32 s21, $0x1FC0;
	[tilespmem:s22+$0x2800] =	vst v2;
	s22 =	smov.u32 s21;
	s21 =	sadd.s32 $0x40, s21  }
.Ltmp1:
0x2e: {  	(pc) =	sbr.rel @p0 .LBB2_4-.Ltmp1, $2  }
0x2f: {  	_ =	sdelay $0x2  }
0x30: {  	s22 =	sshra.s32 s22, $0x2  }
0x31: {  	[tilespmem:s22+$0x2800] =	vst v2  }
0x32: {  	s21 =	simm.s32 $0x0;
	[bflag:$0x0] =	sbarrier.arrive $0xFFFF  }
0x33: {  	[spmem:s2] =	stream.indirect.scatter.add.f32 [tilespmem:s14], [sflag:$0x1], $0x10, s21, s15, $0xb8;
	[tilespmem:$0x8280] =	vst v63  }
0x34: {  	s24 =	simm.s32 $0x80  }
0x35: {  	[spmem:s2] =	stream.indirect.scatter.add.f32 [tilespmem:s14], [sflag:$0x1], $0x10, s24, s15, $0xb8;
	[tilespmem:$0x8280] =	vst v63  }
0x36: {  	s25 =	simm.s32 $0x100  }
0x37: {  	[spmem:s2] =	stream.indirect.scatter.add.f32 [tilespmem:s14], [sflag:$0x1], $0x10, s25, s15, $0xb8;
	[tilespmem:$0x8280] =	vst v63  }
0x38: {  	s26 =	simm.s32 $0x180  }
0x39: {  	[spmem:s2] =	stream.indirect.scatter.add.f32 [tilespmem:s14], [sflag:$0x1], $0x10, s26, s15, $0xb8;
	[tilespmem:$0x8280] =	vst v63  }
0x3a: {  	s28 =	simm.s32 $0x200  }
0x3b: {  	[spmem:s2] =	stream.indirect.scatter.add.f32 [tilespmem:s14], [sflag:$0x1], $0x10, s28, s15, $0xb8;
	[tilespmem:$0x8280] =	vst v63  }
0x3c: {  	s29 =	simm.s32 $0x280  }
0x3d: {  	[spmem:s2] =	stream.indirect.scatter.add.f32 [tilespmem:s14], [sflag:$0x1], $0x10, s29, s15, $0xb8;
	[tilespmem:$0x8280] =	vst v63  }
0x3e: {  	s30 =	simm.s32 $0x300  }
0x3f: {  	[spmem:s2] =	stream.indirect.scatter.add.f32 [tilespmem:s14], [sflag:$0x1], $0x10, s30, s15, $0xb8;
	[tilespmem:$0x8280] =	vst v63  }
0x40: {  	s31 =	simm.s32 $0x380  }
0x41: {  	[spmem:s2] =	stream.indirect.scatter.add.f32 [tilespmem:s14], [sflag:$0x1], $0x10, s31, s15, $0xb8;
	[tilespmem:$0x8280] =	vst v63  }
0x42: {  	_ =	swait.ge [sflag:s16], $0x800  }
0x43: {  	[sflag:s16] =	ssyncset.done $0x0  }
0x44: {  	[sflag:s16] =	ssyncadd.s32 $0xFFFFF800  }
0x45: {  	_ =	swait.ge [sflag:s16], $0x800  }
0x46: {  	[sflag:s16] =	ssyncset.done $0x0  }
0x47: {  	[sflag:s16] =	ssyncadd.s32 $0xFFFFF800  }
0x48: {  	_ =	swait.ge [sflag:s16], $0x800  }
0x49: {  	[sflag:s16] =	ssyncset.done $0x0  }
0x4a: {  	[sflag:s16] =	ssyncadd.s32 $0xFFFFF800  }
0x4b: {  	_ =	swait.ge [sflag:s16], $0x800  }
0x4c: {  	[sflag:s16] =	ssyncset.done $0x0  }
0x4d: {  	[sflag:s16] =	ssyncadd.s32 $0xFFFFF800  }
0x4e: {  	_ =	swait.ge [sflag:s16], $0x800  }
0x4f: {  	[sflag:s16] =	ssyncset.done $0x0  }
0x50: {  	[sflag:s16] =	ssyncadd.s32 $0xFFFFF800  }
0x51: {  	_ =	swait.ge [sflag:s16], $0x800  }
0x52: {  	[sflag:s16] =	ssyncset.done $0x0  }
0x53: {  	[sflag:s16] =	ssyncadd.s32 $0xFFFFF800  }
0x54: {  	_ =	swait.ge [sflag:s16], $0x800  }
0x55: {  	[sflag:s16] =	ssyncset.done $0x0  }
0x56: {  	[sflag:s16] =	ssyncadd.s32 $0xFFFFF800  }
0x57: {  	_ =	swait.ge [sflag:s16], $0x800  }
0x58: {  	s23 =	simm.s32 $0x2000;
	s21 =	simm.s32 $0x1000;
	[sflag:s16] =	ssyncset.done $0x0  }
.LBB2_6:
0x59: {  	s24 =	sshra.s32 s21, $0x2  }
0x5a: {  	[sflag:s16] =	ssyncadd.s32 $0xFFFFF800;
	s21 =	smov.u32 s23;
	s22 =	sadd.s32 $0x1000, s23  }
0x5b: {  	[spmem:s2] =	stream.indirect.scatter.add.f32 [tilespmem:s14], [sflag:$0x1], $0x10, s24, s15, $0xb8;
	[tilespmem:$0x8280] =	vst v63  }
0x5c: {  	p0 =	sne.s32 s23, $0x9000;
	s23 =	sadd.s32 $0x80, s24  }
0x5d: {  	[spmem:s2] =	stream.indirect.scatter.add.f32 [tilespmem:s14], [sflag:$0x1], $0x10, s23, s15, $0xb8;
	[tilespmem:$0x8280] =	vst v63  }
0x5e: {  	s23 =	sadd.s32 $0x100, s24  }
0x5f: {  	[spmem:s2] =	stream.indirect.scatter.add.f32 [tilespmem:s14], [sflag:$0x1], $0x10, s23, s15, $0xb8;
	[tilespmem:$0x8280] =	vst v63  }
0x60: {  	s23 =	sadd.s32 $0x180, s24  }
0x61: {  	[spmem:s2] =	stream.indirect.scatter.add.f32 [tilespmem:s14], [sflag:$0x1], $0x10, s23, s15, $0xb8;
	[tilespmem:$0x8280] =	vst v63  }
0x62: {  	s23 =	sadd.s32 $0x200, s24  }
0x63: {  	[spmem:s2] =	stream.indirect.scatter.add.f32 [tilespmem:s14], [sflag:$0x1], $0x10, s23, s15, $0xb8;
	[tilespmem:$0x8280] =	vst v63  }
0x64: {  	s23 =	sadd.s32 $0x280, s24  }
0x65: {  	[spmem:s2] =	stream.indirect.scatter.add.f32 [tilespmem:s14], [sflag:$0x1], $0x10, s23, s15, $0xb8;
	[tilespmem:$0x8280] =	vst v63  }
0x66: {  	s23 =	sadd.s32 $0x300, s24  }
0x67: {  	[spmem:s2] =	stream.indirect.scatter.add.f32 [tilespmem:s14], [sflag:$0x1], $0x10, s23, s15, $0xb8;
	[tilespmem:$0x8280] =	vst v63  }
0x68: {  	s23 =	sadd.s32 $0x380, s24  }
0x69: {  	[spmem:s2] =	stream.indirect.scatter.add.f32 [tilespmem:s14], [sflag:$0x1], $0x10, s23, s15, $0xb8;
	[tilespmem:$0x8280] =	vst v63  }
0x6a: {  	_ =	swait.ge [sflag:s16], $0x800  }
0x6b: {  	[sflag:s16] =	ssyncset.done $0x0  }
0x6c: {  	[sflag:s16] =	ssyncadd.s32 $0xFFFFF800  }
0x6d: {  	_ =	swait.ge [sflag:s16], $0x800  }
0x6e: {  	[sflag:s16] =	ssyncset.done $0x0  }
0x6f: {  	[sflag:s16] =	ssyncadd.s32 $0xFFFFF800  }
0x70: {  	_ =	swait.ge [sflag:s16], $0x800  }
0x71: {  	[sflag:s16] =	ssyncset.done $0x0  }
0x72: {  	[sflag:s16] =	ssyncadd.s32 $0xFFFFF800  }
0x73: {  	_ =	swait.ge [sflag:s16], $0x800  }
0x74: {  	[sflag:s16] =	ssyncset.done $0x0  }
0x75: {  	[sflag:s16] =	ssyncadd.s32 $0xFFFFF800  }
0x76: {  	_ =	swait.ge [sflag:s16], $0x800  }
0x77: {  	[sflag:s16] =	ssyncset.done $0x0  }
0x78: {  	[sflag:s16] =	ssyncadd.s32 $0xFFFFF800  }
0x79: {  	_ =	swait.ge [sflag:s16], $0x800  }
0x7a: {  	[sflag:s16] =	ssyncset.done $0x0  }
0x7b: {  	[sflag:s16] =	ssyncadd.s32 $0xFFFFF800  }
.Ltmp2:
0x7c: {  	_ =	swait.ge [sflag:s16], $0x800;
	(pc) =	sbr.rel @p0 .LBB2_6-.Ltmp2, $4  }
0x7d: {  	[sflag:s16] =	ssyncset.done $0x0  }
0x7e: {  	[sflag:s16] =	ssyncadd.s32 $0xFFFFF800  }
0x7f: {  	_ =	swait.ge [sflag:s16], $0x800  }
0x80: {  	s23 =	smov.u32 s22;
	[sflag:s16] =	ssyncset.done $0x0  }
0x81: {  	s21 =	sshra.s32 s21, $0x2;
	[sflag:s16] =	ssyncadd.s32 $0xFFFFF800  }
0x82: {  	[spmem:s2] =	stream.indirect.scatter.add.f32 [tilespmem:s14], [sflag:$0x1], $0x10, s21, s15, $0xb8;
	[tilespmem:$0x8280] =	vst v63  }
0x83: {  	s22 =	sadd.s32 $0x80, s21  }
0x84: {  	[spmem:s2] =	stream.indirect.scatter.add.f32 [tilespmem:s14], [sflag:$0x1], $0x10, s22, s15, $0xb8;
	[tilespmem:$0x8280] =	vst v63  }
0x85: {  	s24 =	sadd.s32 $0x100, s21  }
0x86: {  	[spmem:s2] =	stream.indirect.scatter.add.f32 [tilespmem:s14], [sflag:$0x1], $0x10, s24, s15, $0xb8;
	[tilespmem:$0x8280] =	vst v63  }
0x87: {  	s25 =	sadd.s32 $0x180, s21  }
0x88: {  	[spmem:s2] =	stream.indirect.scatter.add.f32 [tilespmem:s14], [sflag:$0x1], $0x10, s25, s15, $0xb8;
	[tilespmem:$0x8280] =	vst v63  }
0x89: {  	s26 =	sadd.s32 $0x200, s21  }
0x8a: {  	[spmem:s2] =	stream.indirect.scatter.add.f32 [tilespmem:s14], [sflag:$0x1], $0x10, s26, s15, $0xb8;
	[tilespmem:$0x8280] =	vst v63  }
0x8b: {  	s28 =	sadd.s32 $0x280, s21  }
0x8c: {  	[spmem:s2] =	stream.indirect.scatter.add.f32 [tilespmem:s14], [sflag:$0x1], $0x10, s28, s15, $0xb8;
	[tilespmem:$0x8280] =	vst v63  }
0x8d: {  	s29 =	sadd.s32 $0x300, s21  }
0x8e: {  	[spmem:s2] =	stream.indirect.scatter.add.f32 [tilespmem:s14], [sflag:$0x1], $0x10, s29, s15, $0xb8;
	[tilespmem:$0x8280] =	vst v63  }
0x8f: {  	s21 =	sadd.s32 $0x380, s21  }
0x90: {  	[spmem:s2] =	stream.indirect.scatter.add.f32 [tilespmem:s14], [sflag:$0x1], $0x10, s21, s15, $0xb8;
	[tilespmem:$0x8280] =	vst v63  }
0x91: {  	_ =	swait.ge [sflag:s16], $0x800  }
0x92: {  	[sflag:s16] =	ssyncset.done $0x0  }
0x93: {  	[sflag:s16] =	ssyncadd.s32 $0xFFFFF800  }
0x94: {  	_ =	swait.ge [sflag:s16], $0x800  }
0x95: {  	[sflag:s16] =	ssyncset.done $0x0  }
0x96: {  	[sflag:s16] =	ssyncadd.s32 $0xFFFFF800  }
0x97: {  	_ =	swait.ge [sflag:s16], $0x800  }
0x98: {  	[sflag:s16] =	ssyncset.done $0x0  }
0x99: {  	[sflag:s16] =	ssyncadd.s32 $0xFFFFF800  }
0x9a: {  	_ =	swait.ge [sflag:s16], $0x800  }
0x9b: {  	[sflag:s16] =	ssyncset.done $0x0  }
0x9c: {  	[sflag:s16] =	ssyncadd.s32 $0xFFFFF800  }
0x9d: {  	_ =	swait.ge [sflag:s16], $0x800  }
0x9e: {  	[sflag:s16] =	ssyncset.done $0x0  }
0x9f: {  	[sflag:s16] =	ssyncadd.s32 $0xFFFFF800  }
0xa0: {  	_ =	swait.ge [sflag:s16], $0x800  }
0xa1: {  	[sflag:s16] =	ssyncset.done $0x0  }
0xa2: {  	[sflag:s16] =	ssyncadd.s32 $0xFFFFF800  }
0xa3: {  	_ =	swait.ge [sflag:s16], $0x800  }
0xa4: {  	[sflag:s16] =	ssyncset.done $0x0  }
0xa5: {  	[sflag:s16] =	ssyncadd.s32 $0xFFFFF800  }
0xa6: {  	s30 =	simm.s32 $0x0;
	_ =	swait.ge [sflag:s16], $0x800  }
0xa7: {  	v4 =	vmov s30;
	[sflag:s16] =	ssyncset.done $0x0  }
0xa8: {  	v4 =	vshll.u32 v4, $0x4;
	[sflag:s16] =	ssyncadd.s32 $0xFFFFF800  }
0xa9: {  	v5 =	vor.u32 v0, v4;
	[bflag:$0x0] =	sbarrier.arrive $0xFFFF  }
0xaa: {  	v4 =	vor.u32 v3, v4;
	[tilespmem:s17], [sflag:$0x2] =	stream.linear.gather [spmem:s6], $0x2800, $0x38;
	[tilespmem:$0x8280] =	vst v63  }
0xab: {  	_ =	swait.ge [sflag:s13], $0x2800  }
0xac: {  	[sflag:s13] =	ssyncset.done $0x0  }
0xad: {  	s31 =	simm.s32 $0x20;
	[sflag:s13] =	ssyncadd.s32 $0xFFFFD800  }
0xae: {  	v6 =	vmov s31;
	v5 =	vld.idx.msk [tilespmem:v5+s17+$0x0], $0xffff  }
0xaf: {  	v6 =	vshll.u32 v6, $0x4;
	v4 =	vld.idx.msk [tilespmem:v4+s17+$0x0], $0xffff  }
0xb0: {  	v7 =	vor.u32 v0, v6  }
0xb1: {  	v6 =	vor.u32 v3, v6  }
0xb2: {  	s22 =	simm.s32 $0x5800  }
0xb3: {  	s21 =	simm.s32 $0x5940;
	[tilespmem:s22+$0x0] =	vst v5  }
0xb4: {  	s23 =	simm.s32 $0x40;
	[tilespmem:s21+$0x0] =	vst v4  }
0xb5: {  	v4 =	vld.idx.msk [tilespmem:v7+s17+$0x0], $0xffff;
	v7 =	vmov s23  }
0xb6: {  	v5 =	vld.idx.msk [tilespmem:v6+s17+$0x0], $0xffff;
	s23 =	simm.s32 $0x60;
	v6 =	vshll.u32 v7, $0x4  }
.LBB2_8:
0xb7: {  	p0 =	sne.s32 s23, $0x260;
	v7 =	vor.u32 v0, v6  }
0xb8: {  	v6 =	vor.u32 v3, v6  }
0xb9: {  	s22 =	sadd.s32 $0x10, s22  }
.Ltmp3:
0xba: {  	s21 =	sadd.s32 $0x10, s21;
	[tilespmem:s22+$0x0] =	vst v4;
	(pc) =	sbr.rel @p0 .LBB2_8-.Ltmp3, $4  }
0xbb: {  	[tilespmem:s21+$0x0] =	vst v5  }
0xbc: {  	v4 =	vld.idx.msk [tilespmem:v7+s17+$0x0], $0xffff  }
0xbd: {  	v7 =	vmov s23;
	v5 =	vld.idx.msk [tilespmem:v6+s17+$0x0], $0xffff  }
0xbe: {  	s23 =	sadd.s32 $0x20, s23;
	v6 =	vshll.u32 v7, $0x4  }
0xbf: {  	v7 =	vor.u32 v0, v6  }
0xc0: {  	v63 =	vor.u32 v3, v6  }
0xc1: {  	s22 =	sadd.s32 $0x10, s22  }
0xc2: {  	s21 =	sadd.s32 $0x10, s21;
	[tilespmem:s22+$0x0] =	vst v4  }
0xc3: {  	[tilespmem:s21+$0x0] =	vst v5  }
0xc4: {  	v4 =	vld.idx.msk [tilespmem:v7+s17+$0x0], $0xffff  }
0xc5: {  	v5 =	vld.idx.msk [tilespmem:v63+s17+$0x0], $0xffff;
	_ =	sdelay $0x2  }
0xc6: {  	s22 =	sadd.s32 $0x10, s22  }
0xc7: {  	s21 =	sadd.s32 $0x10, s21;
	[tilespmem:s22+$0x0] =	vst v4  }
0xc8: {  	[tilespmem:s21+$0x0] =	vst v5  }
0xc9: {  	[hbm4b:s5+s3] =	stream.linear.scatter [tilespmem:s18], [sflag:$0x2], $0x140, $0x38;
	[tilespmem:$0x8280] =	vst v63  }
0xca: {  	s20 =	sadd.s32 $0x1, s20;
	_ =	swait.ge [sflag:s13], $0x140  }
0xcb: {  	p0 =	sne.s32 s20, s8;
	[sflag:s13] =	ssyncset.done $0x0  }
.Ltmp4:
0xcc: {  	[sflag:s13] =	ssyncadd.s32 $0xFFFFFEC0;
	(pc) =	sbr.rel @p0 .LBB2_1-.Ltmp4, $4  }
0xcd: {  	[hbm4b:s7+s3] =	stream.linear.scatter [tilespmem:s19], [sflag:$0x2], $0x140, $0x38;
	[tilespmem:$0x8280] =	vst v63  }
0xce: {  	_ =	swait.ge [sflag:s13], $0x140  }
0xcf: {  	[sflag:s13] =	ssyncset.done $0x0  }
0xd0: {  	[sflag:s13] =	ssyncadd.s32 $0xFFFFFEC0  }
0xd1: {  	_ =	sfence.sel $0x180000  }
0xd2: {  	[bflag:$0x0] =	sbarrier.arrive $0xFFFF  }
0xd3: {  	p0 =	sne.s32 s0, $0x0;
	_ =	strace $0x90000047  }
0xd4: {  	s0 =	sadd.s32 @!p0 $0x100000, s1;
	[bflag:$0x2] =	sbarrier.arrive $0xFFFF  }
0xd5: {  	[sflag:s0] =	ssyncadd.tile.s32 @!p0 $0x1;
	_ =	shalt  }
.Lfunc_end2:
_tile_overlayer_lowered:
.L_overlay_start_2:
0xd6: {  	(tag) =	ssettag $0x2  }
0xd7: {  	s0 =	rddreg [dreg:$0x0];
	s2 =	stileid.u32  }
0xd8: {  	s1 =	rddreg [dreg:$0x1];
	p0 =	sne.s32 s2, $0x0  }
0xd9: {  	s3 =	rddreg [dreg:$0x2];
	[bflag:$0x3] =	sbarrier.arrive $0xFFFF;
	s2 =	simm.s32 @!p0 $0x1C02  }
0xda: {  	[timem:s3], [sflag:s2] =	dma.local @!p0 [hbm:s0], s1  }
0xdb: {  	s0 =	simm.s32 @!p0 $0x2  }
0xdc: {  	_ =	swait.ge @!p0 [sflag:s0], s1  }
0xdd: {  	s1 =	ssub.s32 @!p0 $0x0, s1;
	[sflag:s0] =	ssyncset.done @!p0 $0x0  }
0xde: {  	[sflag:s0] =	ssyncadd.s32 @!p0 s1  }
0xdf: {  	[bflag:$0x3] =	sbarrier.arrive $0xFFFF  }
0xe0: {  	_ =	shalt  }

// kernel: kernel.13.cloned.1.call-start
scs
__scs_entry_jumppad:
0x0: {  	(pc) =	sbr.rel $0x88, $3  }
0x1: {  	(tag) =	ssettag $0x0;
	lr =	simm.s32 $0x1  }
0x2: {  	[smem:$0x3F9B] =	sst lr;
	_ =	strace $0xD0000000  }
0x3: {  	_ = 	snop  }
0x4: {  	_ = 	snop  }
0x5: {  	_ = 	snop  }
0x6: {  	_ = 	snop  }
0x7: {  	_ = 	snop  }
__scs_overlays_trampoline_lowered:
0x8: {  	[smem:$0x3FAA] =	sst s0  }
0x9: {  	[smem:$0x3FAB] =	sst s1  }
0xa: {  	[smem:$0x3FAC] =	sst s2  }
0xb: {  	[smem:$0x3FAD] =	sst s3  }
0xc: {  	[smem:$0x3FAE] =	sst s4  }
0xd: {  	[smem:$0x3FAF] =	sst s5  }
0xe: {  	[smem:$0x3FB0] =	sst s6  }
0xf: {  	[smem:$0x3FB1] =	sst s7  }
0x10: {  	[smem:$0x3FB2] =	sst s8  }
0x11: {  	[smem:$0x3FB3] =	sst s9;
	s0 =	simm.s32 @!p0 $0x0  }
0x12: {  	s1 =	sld [smem:$0x3F99];
	s0 =	simm.s32 @p0 $0x1  }
0x13: {  	[smem:$0x3FB4] =	sst s0;
	s0 =	simm.s32 @!p1 $0x0  }
0x14: {  	s2 =	sld [smem:$0x3F98];
	s0 =	simm.s32 @p1 $0x1  }
0x15: {  	[smem:$0x3FB5] =	sst s0;
	s0 =	simm.s32 @!p2 $0x0  }
0x16: {  	s3 =	sld [smem:$0x3FDB];
	s0 =	simm.s32 @p2 $0x1  }
0x17: {  	s4 =	simm.s32 $0x1BF5;
	[smem:$0x3FB7] =	sst s0  }
0x18: {  	s0 =	sld [smem:$0x3F9A];
	_ =	swait.ge [sflag:s4], $0x0  }
0x19: {  	s7 =	sld [smem:$0x3F9B]  }
0x1a: {  	s8 =	sadd.s32 $0xFFFFE003, lr  }
0x1b: {  	s9 =	sadd.s32 $0xFFFFFEF7, lr;
	s5 =	simm.s32 $0xFFFFFFFF;
	p2 =	slt.u32 s8, $0xFFFFF086  }
0x1c: {  	p1 =	slt.u32 s9, $0xF7A;
	s5 =	simm.s32 @!p2 $0x0  }
0x1d: {  	s5 =	simm.s32 @p1 $0x1;
	p0 =	seq.s32 s7, s2  }
0x1e: {  	s7 =	smul.u32 @!p0 $0xF7A, s2;
	p2 =	seq.s32 @!p0 s5, $0x0  }
0x1f: {  	s9 =	smul.u32 $0xF7A, s1;
	s8 =	simm.s32 @!p0 $0x1BF5;
	p2 =	por !p2, p0  }
0x20: {  	[sflag:s8] =	ssyncset.s32 @!p0 $0xFFFFF086;
	s6 =	sadd.s32 @!p0 s3, s7;
	s7 =	simm.s32 @!p0 $0x108  }
0x21: {  	s3 =	sadd.s32 s3, s9;
	s6 =	sadd.s32 @!p0 $0x88, s6;
	s7 =	simm.s32 @p2 $0x1082  }
0x22: {  	[simem:s7], [sflag:s8] =	dma.local @!p0 [hbm:s6], $0xF7A  }
0x23: {  	s9 =	sor.u32 $0xD0000000, s2;
	s6 =	simm.s32 $0x108;
	_ =	swait.ge @!p0 [sflag:s8], $0x0  }
0x24: {  	s3 =	sadd.s32 $0x88, s3;
	s6 =	simm.s32 @!p1 $0x1082;
	[sflag:s4] =	ssyncset.s32 $0xFFFFF086  }
0x25: {  	[simem:s6], [sflag:s4] =	dma.local [hbm:s3], $0xF7A  }
0x26: {  	[smem:$0x3F9B] =	sst s1;
	(tag) =	ssettag s2;
	_ =	strace s9  }
0x27: {  	s1 =	sld [smem:$0x3FAB]  }
0x28: {  	s2 =	sld [smem:$0x3FAC]  }
0x29: {  	s4 =	sld [smem:$0x3FAE]  }
0x2a: {  	p0 =	seq.s32 s5, $0x0;
	s5 =	sld [smem:$0x3FAF]  }
0x2b: {  	s6 =	sld [smem:$0x3FB0]  }
0x2c: {  	s7 =	sld [smem:$0x3FB1]  }
0x2d: {  	s3 =	simm.s32 $0x108;
	s8 =	sld [smem:$0x3FB2]  }
0x2e: {  	s3 =	simm.s32 @!p0 $0x1082;
	s9 =	sld [smem:$0x3FB3]  }
0x2f: {  	lr =	sadd.s32 s0, s3;
	s0 =	sld [smem:$0x3FAA]  }
0x30: {  	s3 =	sld [smem:$0x3FAD]  }
0x31: {  	[smem:$0x3FB6] =	sst s10  }
0x32: {  	s10 =	sld [smem:$0x3FB4];
	_ =	sdelay $0x3  }
0x33: {  	p0 =	seq.s32 s10, $0x1;
	s10 =	sld [smem:$0x3FB6];
	_ =	sdelay $0x3  }
0x34: {  	[smem:$0x3FB6] =	sst s10  }
0x35: {  	s10 =	sld [smem:$0x3FB5];
	_ =	sdelay $0x3  }
0x36: {  	p1 =	seq.s32 s10, $0x1;
	s10 =	sld [smem:$0x3FB6];
	_ =	sdelay $0x3  }
0x37: {  	[smem:$0x3FB6] =	sst s10  }
0x38: {  	s10 =	sld [smem:$0x3FB7]  }
0x39: {  	_ = 	snop;
	(pc) =	sbr.ind lr, $3  }
0x3a: {  	_ = 	snop  }
0x3b: {  	_ = 	snop  }
0x3c: {  	p2 =	seq.s32 s10, $0x1;
	s10 =	sld [smem:$0x3FB6]  }
0x3d: {  	_ =	shalt  }
0x3e: {  	_ =	shalt  }
0x3f: {  	_ =	shalt  }
0x40: {  	_ =	shalt  }
0x41: {  	_ =	shalt  }
0x42: {  	_ =	shalt  }
0x43: {  	_ =	shalt  }
0x44: {  	_ =	shalt  }
0x45: {  	_ =	shalt  }
0x46: {  	_ =	shalt  }
0x47: {  	_ =	shalt  }
0x48: {  	_ =	shalt  }
0x49: {  	_ =	shalt  }
0x4a: {  	_ =	shalt  }
0x4b: {  	_ =	shalt  }
0x4c: {  	_ =	shalt  }
0x4d: {  	_ =	shalt  }
0x4e: {  	_ =	shalt  }
0x4f: {  	_ =	shalt  }
0x50: {  	_ =	shalt  }
0x51: {  	_ =	shalt  }
0x52: {  	_ =	shalt  }
0x53: {  	_ =	shalt  }
0x54: {  	_ =	shalt  }
0x55: {  	_ =	shalt  }
0x56: {  	_ =	shalt  }
0x57: {  	_ =	shalt  }
0x58: {  	_ =	shalt  }
0x59: {  	_ =	shalt  }
0x5a: {  	_ =	shalt  }
0x5b: {  	_ =	shalt  }
0x5c: {  	_ =	shalt  }
0x5d: {  	_ =	shalt  }
0x5e: {  	_ =	shalt  }
0x5f: {  	_ =	shalt  }
0x60: {  	_ =	shalt  }
0x61: {  	_ =	shalt  }
0x62: {  	_ =	shalt  }
0x63: {  	_ =	shalt  }
0x64: {  	_ =	shalt  }
0x65: {  	_ =	shalt  }
0x66: {  	_ =	shalt  }
0x67: {  	_ =	shalt  }
0x68: {  	_ =	shalt  }
0x69: {  	_ =	shalt  }
0x6a: {  	_ =	shalt  }
0x6b: {  	_ =	shalt  }
0x6c: {  	_ =	shalt  }
0x6d: {  	_ =	shalt  }
0x6e: {  	_ =	shalt  }
0x6f: {  	_ =	shalt  }
0x70: {  	_ =	shalt  }
0x71: {  	_ =	shalt  }
0x72: {  	_ =	shalt  }
0x73: {  	_ =	shalt  }
0x74: {  	_ =	shalt  }
0x75: {  	_ =	shalt  }
0x76: {  	_ =	shalt  }
0x77: {  	_ =	shalt  }
0x78: {  	_ =	shalt  }
0x79: {  	_ =	shalt  }
0x7a: {  	_ =	shalt  }
0x7b: {  	_ =	shalt  }
0x7c: {  	_ =	shalt  }
0x7d: {  	_ =	shalt  }
0x7e: {  	_ =	shalt  }
0x7f: {  	_ =	shalt  }
0x80: {  	_ =	shalt  }
0x81: {  	_ =	shalt  }
0x82: {  	_ =	shalt  }
0x83: {  	_ =	shalt  }
0x84: {  	_ =	shalt  }
0x85: {  	_ =	shalt  }
0x86: {  	_ =	shalt  }
0x87: {  	_ =	shalt  }
.Lfunc_end0:
.L_simem_size_0:
called_computation.1_lowered:
.L_overlay_start_0:
0x88: {  	s2 =	sld [smem:$0x3FD9]  }
0x89: {  	s3 =	sld [smem:$0x3FFE];
	_ =	sdelay $0x1  }
0x8a: {  	s1 =	srdreg.scid  }
0x8b: {  	s0 =	sand.u32 $0x1, s1  }
0x8c: {  	s17 =	sshll.u32 s0, $0xA;
	s2 =	sadd.s32 s3, s2  }
0x8d: {  	s2 =	sadd.s32 s2, s17  }
0x8e: {  	[smem:$0x3FC2] =	sst s2  }
0x8f: {  	_ = 	snop  }
0x90: {  	s2 =	sld [smem:$0x3FD0];
	(tm) =	ssettm $0x1  }
0x91: {  	s18 =	sld [smem:$0x3FFB];
	_ =	sdelay $0x3  }
0x92: {  	_ =	strace s18  }
0x93: {  	s3 =	sld [smem:$0x3FFC];
	_ =	sdelay $0x3  }
0x94: {  	_ =	strace s3  }
0x95: {  	s3 =	sld [smem:$0x3FFD];
	_ =	sdelay $0x3  }
0x96: {  	_ =	strace s3  }
0x97: {  	_ =	strace $0x8FFFFFFF  }
0x98: {  	s19 =	sld [smem:$0x3FDB];
	_ =	sdelay $0x1  }
0x99: {  	s4 =	simm.s32 $_scs_section_size  }
0x9a: {  	s5 =	simm.s32 $_size__tile_overlayer_lowered;
	s6 =	simm.s32 $_tile_overlayer_lowered  }
0x9b: {  	s22 =	simm.s32 $0x1BFF;
	s21 =	sshll.u32 s6, $0x1;
	s3 =	sadd.s32 s4, s19  }
0x9c: {  	s7 =	simm.s32 $0x0;
	s20 =	sshll.u32 s5, $0x1;
	s5 =	sadd.s32 s21, s3  }
0x9d: {  	[timem:s7], [sflag:s22] =	dma.local [hbm:s5], s20  }
0x9e: {  	_ =	swait.ge [sflag:s22], s20  }
0x9f: {  	s4 =	ssub.s32 $0x0, s20;
	[sflag:s22] =	ssyncset.done $0x0  }
0xa0: {  	[sflag:s22] =	ssyncadd.s32 s4;
	_ =	sdelay $0x1  }
0xa1: {  	s23 =	simm.s32 $0x1B8B  }
0xa2: {  	_ =	swait.ge [sflag:s23], $0x1  }
0xa3: {  	[sflag:s23] =	ssyncset.done $0x0  }
0xa4: {  	s25 =	simm.s32 $0x1B8E;
	s24 =	sld [smem:$0x3FFE];
	[sflag:s23] =	ssyncadd.s32 $0xFFFFFFFF  }
0xa5: {  	s26 =	simm.s32 $execute0_lowered;
	[smem:$0x3FD2] =	sst s25  }
0xa6: {  	s5 =	sshll.u32 s26, $0x1;
	_ =	strace $0x80000049;
	[dreg:$0x1] =	wrdreg $0xFFFFFFFF  }
0xa7: {  	s28 =	simm.s32 $_size_execute0_lowered;
	s3 =	sadd.s32 s3, s5;
	[dreg:$0x0] =	wrdreg $0x0  }
0xa8: {  	s5 =	sshll.u32 s28, $0x1;
	[dreg:$0x2] =	wrdreg s3  }
0xa9: {  	[dreg:$0x3] =	wrdreg s5  }
0xaa: {  	[dreg:$0x4] =	wrdreg $0xC0  }
0xab: {  	_ =	task [dreg:s7], $0x5FFFF  }
0xac: {  	[dreg:$0x1] =	wrdreg $0xFFFFFFFF  }
0xad: {  	[dreg:$0x0] =	wrdreg $0x60  }
0xae: {  	[dreg:$0x2] =	wrdreg s2  }
0xaf: {  	[dreg:$0x3] =	wrdreg s24  }
0xb0: {  	[dreg:$0x4] =	wrdreg $0xC0000  }
0xb1: {  	[dreg:$0x5] =	wrdreg $0x70000  }
0xb2: {  	[dreg:$0x6] =	wrdreg $0x9  }
0xb3: {  	_ =	task.clear_ibuf [dreg:s7], $0x7FFFF;
	_ =	strace $0x90000049  }
0xb4: {  	s29 =	simm.s32 $0x9;
	_ =	strace $0x8000004B  }
0xb5: {  	_ =	swait.ge [sflag:s29], $0x1  }
0xb6: {  	[sflag:s29] =	ssyncadd.s32 $0xFFFFFFFF  }
0xb7: {  	_ =	strace $0x9000004B  }
0xb8: {  	_ =	sfence  }
0xb9: {  	s30 =	sld [smem:$0x0];
	_ =	sdelay $0x2  }
0xba: {  	s31 =	sshll.u32 s1, $0xD;
	s1 =	sshrl.u32 s1, $0x2  }
0xbb: {  	s3 =	sand.u32 $0x4000, s31;
	s1 =	sadd.s32 s1, s30  }
0xbc: {  	s0 =	sor.u32 s3, s0;
	s1 =	sshll.u32 s1, $0x11  }
0xbd: {  	s0 =	sor.u32 s1, s0  }
0xbe: {  	s0 =	sadd.s32 $0x8F2B, s0  }
0xbf: {  	[sflag:s0] =	ssyncadd.remote.s32 $0x1  }
0xc0: {  	_ =	sfence.sel $0xFFFF  }
0xc1: {  	[dreg:$0x0] =	wrdreg $0xFFFFFFFF;
	(pc) =	sbr.abs _section_cstart, $3  }
0xc2: {  	[dreg:$0x1] =	wrdreg $0xFFFFFFFF  }
0xc3: {  	_ =	task.clear_ibuf [dreg:s7], $0x2FFFF;
	_ =	strace $0x9FFFFFFF  }
0xc4: {  	(tm) =	ssettm $0x7FFFFFFF  }
0xc5: {  	_ =	shalt  }
tec
execute0_lowered:
.L_overlay_start_1:
0x0: {  	(tag) =	ssettag $0x1  }
0x1: {  	s0 =	rddreg [dreg:$0x0]  }
0x2: {  	s1 =	rddreg [dreg:$0x1]  }
0x3: {  	s2 =	rddreg [dreg:$0x2];
	s4 =	srdreg.scid  }
0x4: {  	s3 =	rddreg [dreg:$0x3];
	s11 =	stileid.u32  }
0x5: {  	s18 =	simm.s32 $0x5;
	s20 =	simm.s32 $0x5000;
	s21 =	simm.s32 $0x2  }
0x6: {  	s22 =	simm.s32 $0x80;
	s23 =	simm.s32 $0x1;
	s28 =	simm.s32 $0x4  }
0x7: {  	s30 =	simm.s32 $0x2780;
	s31 =	simm.s32 $0x4F80;
	s7 =	smul.u32 $0xA000, s11  }
0x8: {  	s5 =	sand.u32 $0x1, s4;
	s4 =	simm.s32 $0x0;
	s25 =	smul.u32 $0x14000, s11  }
0x9: {  	s6 =	sshll.u32 s5, $0x4;
	s8 =	smul.u32 $0xA0000, s5;
	[smem:$0x7FF] =	sst s4  }
0xa: {  	s5 =	ssub.s32 $0x2, s5;
	s6 =	sor.u32 s11, s6;
	_ =	strace $0x8000004A  }
0xb: {  	s9 =	sshrl.u32 s5, $0x1;
	s13 =	sshrl.u32 s7, $0x1;
	s24 =	sshrl.u32 s7, $0x4  }
0xc: {  	s26 =	sshrl.u32 s25, $0x2;
	s6 =	smul.u32 $0x2800, s6;
	s8 =	sadd.s32 s7, s8  }
0xd: {  	s12 =	ssub.s32 s5, s9;
	s17 =	sadd.s32 s13, s2;
	s5 =	sadd.s32 s0, s24  }
0xe: {  	s29 =	sadd.s32 s13, s3;
	s24 =	simm.s32 $0x6000;
	s0 =	simm.s32 $0x0  }
0xf: {  	s8 =	sshrl.u32 s8, $0x4;
	s12 =	smax.u32 s12, $0x1;
	s6 =	sshrl.u32 s6, $0x3  }
0x10: {  	s17 =	sshrl.u32 s17, $0x3;
	s10 =	sadd.s32 s6, s1;
	s6 =	sshll.u32 s11, $0x6  }
0x11: {  	s25 =	sshrl.u32 s29, $0x3;
	s1 =	sadd.s32 s8, s1;
	s7 =	sor.u32 $0x1C02, s6  }
0x12: {  	s8 =	sadd.s32 $0x2200, s10;
	s9 =	sadd.s32 $0xC200, s10;
	s10 =	sadd.s32 s26, s3  }
0x13: {  	s11 =	sadd.s32 $0x16200, s1;
	s26 =	simm.s32 $0x3;
	s13 =	sadd.s32 $0x1000, s10  }
0x14: {  	v0 =	vimm.bf16 $0.0e+00;
	s14 =	sadd.s32 $0x2000, s10;
	s15 =	sadd.s32 $0x3000, s10;
	s16 =	sadd.s32 $0x4000, s10  }
.LBB2_1:
0x15: {  	[spmem:s17], [sflag:s7] =	dma.local [hbm:s5], $0xA00  }
0x16: {  	[tilespmem:s4], [sflag:$0x5] =	stream.linear.gather [hbm4b:s8+s4], $0x2800, $0x38;
	[tilespmem:$0x11000] =	vst v63  }
0x17: {  	_ =	swait.ge [sflag:s18], $0x2800  }
0x18: {  	[sflag:s18] =	ssyncset.done $0x0  }
0x19: {  	s1 =	simm.s32 $0x2800;
	[sflag:s18] =	ssyncadd.s32 $0xFFFFD800  }
0x1a: {  	[tilespmem:s1], [sflag:$0x5] =	stream.linear.gather [hbm4b:s9+s4], $0x2800, $0x38;
	[tilespmem:$0x11000] =	vst v63  }
0x1b: {  	_ =	swait.ge [sflag:s18], $0x2800  }
0x1c: {  	[sflag:s18] =	ssyncset.done $0x0  }
0x1d: {  	s19 =	simm.s32 $0x0;
	s1 =	simm.s32 $0x80;
	[sflag:s18] =	ssyncadd.s32 $0xFFFFD800  }
.LBB2_2:
0x1e: {  	p0 =	sne.s32 s1, $0x3F80;
	[tilespmem:s19+$0x5000] =	vst v0;
	s29 =	smov.u32 s1;
	s1 =	sadd.s32 $0x80, s1  }
.Ltmp0:
0x1f: {  	[tilespmem:s19+$0x5010] =	vst v0;
	(pc) =	sbr.rel @p0 .LBB2_2-.Ltmp0, $2  }
0x20: {  	_ =	sdelay $0x2  }
0x21: {  	s19 =	sshra.s32 s29, $0x2  }
0x22: {  	[tilespmem:s19+$0x5000] =	vst v0  }
0x23: {  	[tilespmem:s19+$0x5010] =	vst v0  }
0x24: {  	[spmem:s10] =	stream.linear.scatter [tilespmem:s20], [sflag:$0x5], $0x1000, $0x38;
	[tilespmem:$0x11000] =	vst v63  }
0x25: {  	_ =	swait.ge [sflag:s18], $0x1000  }
0x26: {  	[sflag:s18] =	ssyncset.done $0x0  }
0x27: {  	[sflag:s18] =	ssyncadd.s32 $0xFFFFF000  }
0x28: {  	[spmem:s13] =	stream.linear.scatter [tilespmem:s20], [sflag:$0x5], $0x1000, $0x38;
	[tilespmem:$0x11000] =	vst v63  }
0x29: {  	_ =	swait.ge [sflag:s18], $0x1000  }
0x2a: {  	[sflag:s18] =	ssyncset.done $0x0  }
0x2b: {  	[sflag:s18] =	ssyncadd.s32 $0xFFFFF000  }
0x2c: {  	[spmem:s14] =	stream.linear.scatter [tilespmem:s20], [sflag:$0x5], $0x1000, $0x38;
	[tilespmem:$0x11000] =	vst v63  }
0x2d: {  	_ =	swait.ge [sflag:s18], $0x1000  }
0x2e: {  	[sflag:s18] =	ssyncset.done $0x0  }
0x2f: {  	[sflag:s18] =	ssyncadd.s32 $0xFFFFF000  }
0x30: {  	[spmem:s15] =	stream.linear.scatter [tilespmem:s20], [sflag:$0x5], $0x1000, $0x38;
	[tilespmem:$0x11000] =	vst v63  }
0x31: {  	_ =	swait.ge [sflag:s18], $0x1000  }
0x32: {  	[sflag:s18] =	ssyncset.done $0x0  }
0x33: {  	[sflag:s18] =	ssyncadd.s32 $0xFFFFF000  }
0x34: {  	[spmem:s16] =	stream.linear.scatter [tilespmem:s20], [sflag:$0x5], $0x1000, $0x38;
	[tilespmem:$0x11000] =	vst v63  }
0x35: {  	_ =	swait.ge [sflag:s18], $0x1000  }
0x36: {  	[sflag:s18] =	ssyncset.done $0x0  }
0x37: {  	[sflag:s18] =	ssyncadd.s32 $0xFFFFF000  }
0x38: {  	_ =	swait.ge [sflag:s21], $0xA00  }
0x39: {  	[sflag:s21] =	ssyncset.done $0x0  }
0x3a: {  	[sflag:s21] =	ssyncadd.s32 $0xFFFFF600  }
0x3b: {  	s1 =	simm.s32 $0x0;
	[bflag:$0x0] =	sbarrier.arrive $0xFFFF  }
0x3c: {  	[tilespmem:s20], [sflag:$0x1] =	stream.indirect.gather [spmem:s2], $0x20, s1, s22, $0xb8;
	[tilespmem:$0x11000] =	vst v63  }
0x3d: {  	_ =	swait.ge [sflag:s23], $0x1000  }
0x3e: {  	[sflag:s23] =	ssyncset.done $0x0  }
0x3f: {  	s19 =	simm.s32 $0x2800;
	[sflag:s23] =	ssyncadd.s32 $0xFFFFF000  }
0x40: {  	[spmem:s3] =	stream.indirect.scatter.add.bf16 [tilespmem:s20], [sflag:$0x3], $0x20, s19, s22, $0xb8;
	[tilespmem:$0x11000] =	vst v63  }
0x41: {  	s29 =	simm.s32 $0x80  }
0x42: {  	[tilespmem:s24], [sflag:$0x2] =	stream.indirect.gather [spmem:s2], $0x20, s29, s22, $0xb8;
	[tilespmem:$0x11000] =	vst v63  }
0x43: {  	_ =	swait.ge [sflag:s26], $0x1000  }
0x44: {  	[sflag:s26] =	ssyncset.done $0x0  }
0x45: {  	[sflag:s26] =	ssyncadd.s32 $0xFFFFF000  }
0x46: {  	_ =	swait.ge [sflag:s21], $0x1000  }
0x47: {  	[sflag:s21] =	ssyncset.done $0x0  }
0x48: {  	s19 =	simm.s32 $0x2880;
	[sflag:s21] =	ssyncadd.s32 $0xFFFFF000  }
0x49: {  	[spmem:s3] =	stream.indirect.scatter.add.bf16 [tilespmem:s24], [sflag:$0x4], $0x20, s19, s22, $0xb8;
	[tilespmem:$0x11000] =	vst v63  }
0x4a: {  	s29 =	simm.s32 $0x100  }
0x4b: {  	[tilespmem:s20], [sflag:$0x1] =	stream.indirect.gather [spmem:s2], $0x20, s29, s22, $0xb8;
	[tilespmem:$0x11000] =	vst v63  }
0x4c: {  	_ =	swait.ge [sflag:s28], $0x1000  }
0x4d: {  	s1 =	simm.s32 $0x400;
	[sflag:s28] =	ssyncset.done $0x0  }
.LBB2_4:
0x4e: {  	p0 =	sne.s32 s1, $0x9800  }
0x4f: {  	[sflag:s28] =	ssyncadd.s32 $0xFFFFF000;
	s19 =	smov.u32 s1;
	s1 =	sadd.s32 $0x400, s1  }
0x50: {  	_ = 	snop  }
0x51: {  	_ =	swait.ge [sflag:s23], $0x1000  }
0x52: {  	s19 =	sshra.s32 s19, $0x2;
	[sflag:s23] =	ssyncset.done $0x0  }
0x53: {  	s29 =	sadd.s32 $0x2800, s19;
	[sflag:s23] =	ssyncadd.s32 $0xFFFFF000  }
0x54: {  	[spmem:s3] =	stream.indirect.scatter.add.bf16 [tilespmem:s20], [sflag:$0x3], $0x20, s29, s22, $0xb8;
	[tilespmem:$0x11000] =	vst v63  }
0x55: {  	s29 =	sadd.s32 $0x80, s19  }
0x56: {  	[tilespmem:s24], [sflag:$0x2] =	stream.indirect.gather [spmem:s2], $0x20, s29, s22, $0xb8;
	[tilespmem:$0x11000] =	vst v63  }
0x57: {  	_ =	swait.ge [sflag:s26], $0x1000  }
0x58: {  	[sflag:s26] =	ssyncset.done $0x0  }
0x59: {  	[sflag:s26] =	ssyncadd.s32 $0xFFFFF000  }
0x5a: {  	_ =	swait.ge [sflag:s21], $0x1000  }
0x5b: {  	[sflag:s21] =	ssyncset.done $0x0  }
0x5c: {  	s29 =	sadd.s32 $0x2880, s19;
	[sflag:s21] =	ssyncadd.s32 $0xFFFFF000  }
0x5d: {  	[spmem:s3] =	stream.indirect.scatter.add.bf16 [tilespmem:s24], [sflag:$0x4], $0x20, s29, s22, $0xb8;
	[tilespmem:$0x11000] =	vst v63  }
.Ltmp1:
0x5e: {  	_ = 	snop;
	(pc) =	sbr.rel @p0 .LBB2_4-.Ltmp1, $4  }
0x5f: {  	s19 =	sadd.s32 $0x100, s19  }
0x60: {  	[tilespmem:s20], [sflag:$0x1] =	stream.indirect.gather [spmem:s2], $0x20, s19, s22, $0xb8;
	[tilespmem:$0x11000] =	vst v63  }
0x61: {  	_ =	swait.ge [sflag:s28], $0x1000  }
0x62: {  	[sflag:s28] =	ssyncset.done $0x0  }
0x63: {  	[sflag:s28] =	ssyncadd.s32 $0xFFFFF000  }
0x64: {  	_ =	swait.ge [sflag:s23], $0x1000  }
0x65: {  	[sflag:s23] =	ssyncset.done $0x0  }
0x66: {  	s1 =	simm.s32 $0x4F00;
	[sflag:s23] =	ssyncadd.s32 $0xFFFFF000  }
0x67: {  	[spmem:s3] =	stream.indirect.scatter.add.bf16 [tilespmem:s20], [sflag:$0x3], $0x20, s1, s22, $0xb8;
	[tilespmem:$0x11000] =	vst v63  }
0x68: {  	_ = 	snop  }
0x69: {  	[tilespmem:s24], [sflag:$0x2] =	stream.indirect.gather [spmem:s2], $0x20, s30, s22, $0xb8;
	[tilespmem:$0x11000] =	vst v63  }
0x6a: {  	_ =	swait.ge [sflag:s26], $0x1000  }
0x6b: {  	[sflag:s26] =	ssyncset.done $0x0  }
0x6c: {  	[sflag:s26] =	ssyncadd.s32 $0xFFFFF000  }
0x6d: {  	_ =	swait.ge [sflag:s21], $0x1000  }
0x6e: {  	[sflag:s21] =	ssyncset.done $0x0  }
0x6f: {  	[sflag:s21] =	ssyncadd.s32 $0xFFFFF000  }
0x70: {  	[spmem:s3] =	stream.indirect.scatter.add.bf16 [tilespmem:s24], [sflag:$0x4], $0x20, s31, s22, $0xb8;
	[tilespmem:$0x11000] =	vst v63  }
0x71: {  	_ =	swait.ge [sflag:s28], $0x1000  }
0x72: {  	s0 =	sadd.s32 $0x1, s0;
	[sflag:s28] =	ssyncset.done $0x0  }
0x73: {  	p0 =	sne.s32 s0, s12;
	[sflag:s28] =	ssyncadd.s32 $0xFFFFF000  }
.Ltmp2:
0x74: {  	s29 =	sor.u32 $0x1C05, s6;
	[bflag:$0x0] =	sbarrier.arrive $0xFFFF;
	(pc) =	sbr.rel @p0 .LBB2_1-.Ltmp2, $4  }
0x75: {  	[hbm:s11], [sflag:s29] =	dma.local [spmem:s25], $0xA00  }
0x76: {  	_ =	swait.ge [sflag:s18], $0xA00  }
0x77: {  	[sflag:s18] =	ssyncset.done $0x0  }
0x78: {  	[sflag:s18] =	ssyncadd.s32 $0xFFFFF600  }
0x79: {  	_ =	sfence.sel $0x180000  }
0x7a: {  	[bflag:$0x0] =	sbarrier.arrive $0xFFFF  }
0x7b: {  	_ =	strace $0x9000004A  }
0x7c: {  	s0 =	stileid.u32;
	[bflag:$0x2] =	sbarrier.arrive $0xFFFF  }
0x7d: {  	p0 =	sne.s32 s0, $0x0;
	s0 =	rddreg [dreg:$0x4]  }
0x7e: {  	s0 =	sadd.s32 @!p0 $0x100000, s0  }
0x7f: {  	[sflag:s0] =	ssyncadd.tile.s32 @!p0 $0x1;
	_ =	shalt  }
.Lfunc_end2:
_tile_overlayer_lowered:
.L_overlay_start_2:
0x80: {  	(tag) =	ssettag $0x2  }
0x81: {  	s0 =	rddreg [dreg:$0x0];
	s2 =	stileid.u32  }
0x82: {  	s1 =	rddreg [dreg:$0x1];
	p0 =	sne.s32 s2, $0x0  }
0x83: {  	s3 =	rddreg [dreg:$0x2];
	[bflag:$0x3] =	sbarrier.arrive $0xFFFF;
	s2 =	simm.s32 @!p0 $0x1C05  }
0x84: {  	[timem:s3], [sflag:s2] =	dma.local @!p0 [hbm:s0], s1  }
0x85: {  	s0 =	simm.s32 @!p0 $0x5  }
0x86: {  	_ =	swait.ge @!p0 [sflag:s0], s1  }
0x87: {  	s1 =	ssub.s32 @!p0 $0x0, s1;
	[sflag:s0] =	ssyncset.done @!p0 $0x0  }
0x88: {  	[sflag:s0] =	ssyncadd.s32 @!p0 s1  }
0x89: {  	[bflag:$0x3] =	sbarrier.arrive $0xFFFF  }
0x8a: {  	_ =	shalt  }

// kernel: kernel.16.cloned.1.call-start
scs
__scs_entry_jumppad:
0x0: {  	(pc) =	sbr.rel $0x88, $3  }
0x1: {  	(tag) =	ssettag $0x0;
	lr =	simm.s32 $0x1  }
0x2: {  	[smem:$0x3F9B] =	sst lr;
	_ =	strace $0xD0000000  }
0x3: {  	_ = 	snop  }
0x4: {  	_ = 	snop  }
0x5: {  	_ = 	snop  }
0x6: {  	_ = 	snop  }
0x7: {  	_ = 	snop  }
__scs_overlays_trampoline_lowered:
0x8: {  	[smem:$0x3FAA] =	sst s0  }
0x9: {  	[smem:$0x3FAB] =	sst s1  }
0xa: {  	[smem:$0x3FAC] =	sst s2  }
0xb: {  	[smem:$0x3FAD] =	sst s3  }
0xc: {  	[smem:$0x3FAE] =	sst s4  }
0xd: {  	[smem:$0x3FAF] =	sst s5  }
0xe: {  	[smem:$0x3FB0] =	sst s6  }
0xf: {  	[smem:$0x3FB1] =	sst s7  }
0x10: {  	[smem:$0x3FB2] =	sst s8  }
0x11: {  	[smem:$0x3FB3] =	sst s9;
	s0 =	simm.s32 @!p0 $0x0  }
0x12: {  	s1 =	sld [smem:$0x3F99];
	s0 =	simm.s32 @p0 $0x1  }
0x13: {  	[smem:$0x3FB4] =	sst s0;
	s0 =	simm.s32 @!p1 $0x0  }
0x14: {  	s2 =	sld [smem:$0x3F98];
	s0 =	simm.s32 @p1 $0x1  }
0x15: {  	[smem:$0x3FB5] =	sst s0;
	s0 =	simm.s32 @!p2 $0x0  }
0x16: {  	s3 =	sld [smem:$0x3FDB];
	s0 =	simm.s32 @p2 $0x1  }
0x17: {  	s4 =	simm.s32 $0x1BF5;
	[smem:$0x3FB7] =	sst s0  }
0x18: {  	s0 =	sld [smem:$0x3F9A];
	_ =	swait.ge [sflag:s4], $0x0  }
0x19: {  	s7 =	sld [smem:$0x3F9B]  }
0x1a: {  	s8 =	sadd.s32 $0xFFFFE003, lr  }
0x1b: {  	s9 =	sadd.s32 $0xFFFFFEF7, lr;
	s5 =	simm.s32 $0xFFFFFFFF;
	p2 =	slt.u32 s8, $0xFFFFF086  }
0x1c: {  	p1 =	slt.u32 s9, $0xF7A;
	s5 =	simm.s32 @!p2 $0x0  }
0x1d: {  	s5 =	simm.s32 @p1 $0x1;
	p0 =	seq.s32 s7, s2  }
0x1e: {  	s7 =	smul.u32 @!p0 $0xF7A, s2;
	p2 =	seq.s32 @!p0 s5, $0x0  }
0x1f: {  	s9 =	smul.u32 $0xF7A, s1;
	s8 =	simm.s32 @!p0 $0x1BF5;
	p2 =	por !p2, p0  }
0x20: {  	[sflag:s8] =	ssyncset.s32 @!p0 $0xFFFFF086;
	s6 =	sadd.s32 @!p0 s3, s7;
	s7 =	simm.s32 @!p0 $0x108  }
0x21: {  	s3 =	sadd.s32 s3, s9;
	s6 =	sadd.s32 @!p0 $0x88, s6;
	s7 =	simm.s32 @p2 $0x1082  }
0x22: {  	[simem:s7], [sflag:s8] =	dma.local @!p0 [hbm:s6], $0xF7A  }
0x23: {  	s9 =	sor.u32 $0xD0000000, s2;
	s6 =	simm.s32 $0x108;
	_ =	swait.ge @!p0 [sflag:s8], $0x0  }
0x24: {  	s3 =	sadd.s32 $0x88, s3;
	s6 =	simm.s32 @!p1 $0x1082;
	[sflag:s4] =	ssyncset.s32 $0xFFFFF086  }
0x25: {  	[simem:s6], [sflag:s4] =	dma.local [hbm:s3], $0xF7A  }
0x26: {  	[smem:$0x3F9B] =	sst s1;
	(tag) =	ssettag s2;
	_ =	strace s9  }
0x27: {  	s1 =	sld [smem:$0x3FAB]  }
0x28: {  	s2 =	sld [smem:$0x3FAC]  }
0x29: {  	s4 =	sld [smem:$0x3FAE]  }
0x2a: {  	p0 =	seq.s32 s5, $0x0;
	s5 =	sld [smem:$0x3FAF]  }
0x2b: {  	s6 =	sld [smem:$0x3FB0]  }
0x2c: {  	s7 =	sld [smem:$0x3FB1]  }
0x2d: {  	s3 =	simm.s32 $0x108;
	s8 =	sld [smem:$0x3FB2]  }
0x2e: {  	s3 =	simm.s32 @!p0 $0x1082;
	s9 =	sld [smem:$0x3FB3]  }
0x2f: {  	lr =	sadd.s32 s0, s3;
	s0 =	sld [smem:$0x3FAA]  }
0x30: {  	s3 =	sld [smem:$0x3FAD]  }
0x31: {  	[smem:$0x3FB6] =	sst s10  }
0x32: {  	s10 =	sld [smem:$0x3FB4];
	_ =	sdelay $0x3  }
0x33: {  	p0 =	seq.s32 s10, $0x1;
	s10 =	sld [smem:$0x3FB6];
	_ =	sdelay $0x3  }
0x34: {  	[smem:$0x3FB6] =	sst s10  }
0x35: {  	s10 =	sld [smem:$0x3FB5];
	_ =	sdelay $0x3  }
0x36: {  	p1 =	seq.s32 s10, $0x1;
	s10 =	sld [smem:$0x3FB6];
	_ =	sdelay $0x3  }
0x37: {  	[smem:$0x3FB6] =	sst s10  }
0x38: {  	s10 =	sld [smem:$0x3FB7]  }
0x39: {  	_ = 	snop;
	(pc) =	sbr.ind lr, $3  }
0x3a: {  	_ = 	snop  }
0x3b: {  	_ = 	snop  }
0x3c: {  	p2 =	seq.s32 s10, $0x1;
	s10 =	sld [smem:$0x3FB6]  }
0x3d: {  	_ =	shalt  }
0x3e: {  	_ =	shalt  }
0x3f: {  	_ =	shalt  }
0x40: {  	_ =	shalt  }
0x41: {  	_ =	shalt  }
0x42: {  	_ =	shalt  }
0x43: {  	_ =	shalt  }
0x44: {  	_ =	shalt  }
0x45: {  	_ =	shalt  }
0x46: {  	_ =	shalt  }
0x47: {  	_ =	shalt  }
0x48: {  	_ =	shalt  }
0x49: {  	_ =	shalt  }
0x4a: {  	_ =	shalt  }
0x4b: {  	_ =	shalt  }
0x4c: {  	_ =	shalt  }
0x4d: {  	_ =	shalt  }
0x4e: {  	_ =	shalt  }
0x4f: {  	_ =	shalt  }
0x50: {  	_ =	shalt  }
0x51: {  	_ =	shalt  }
0x52: {  	_ =	shalt  }
0x53: {  	_ =	shalt  }
0x54: {  	_ =	shalt  }
0x55: {  	_ =	shalt  }
0x56: {  	_ =	shalt  }
0x57: {  	_ =	shalt  }
0x58: {  	_ =	shalt  }
0x59: {  	_ =	shalt  }
0x5a: {  	_ =	shalt  }
0x5b: {  	_ =	shalt  }
0x5c: {  	_ =	shalt  }
0x5d: {  	_ =	shalt  }
0x5e: {  	_ =	shalt  }
0x5f: {  	_ =	shalt  }
0x60: {  	_ =	shalt  }
0x61: {  	_ =	shalt  }
0x62: {  	_ =	shalt  }
0x63: {  	_ =	shalt  }
0x64: {  	_ =	shalt  }
0x65: {  	_ =	shalt  }
0x66: {  	_ =	shalt  }
0x67: {  	_ =	shalt  }
0x68: {  	_ =	shalt  }
0x69: {  	_ =	shalt  }
0x6a: {  	_ =	shalt  }
0x6b: {  	_ =	shalt  }
0x6c: {  	_ =	shalt  }
0x6d: {  	_ =	shalt  }
0x6e: {  	_ =	shalt  }
0x6f: {  	_ =	shalt  }
0x70: {  	_ =	shalt  }
0x71: {  	_ =	shalt  }
0x72: {  	_ =	shalt  }
0x73: {  	_ =	shalt  }
0x74: {  	_ =	shalt  }
0x75: {  	_ =	shalt  }
0x76: {  	_ =	shalt  }
0x77: {  	_ =	shalt  }
0x78: {  	_ =	shalt  }
0x79: {  	_ =	shalt  }
0x7a: {  	_ =	shalt  }
0x7b: {  	_ =	shalt  }
0x7c: {  	_ =	shalt  }
0x7d: {  	_ =	shalt  }
0x7e: {  	_ =	shalt  }
0x7f: {  	_ =	shalt  }
0x80: {  	_ =	shalt  }
0x81: {  	_ =	shalt  }
0x82: {  	_ =	shalt  }
0x83: {  	_ =	shalt  }
0x84: {  	_ =	shalt  }
0x85: {  	_ =	shalt  }
0x86: {  	_ =	shalt  }
0x87: {  	_ =	shalt  }
.Lfunc_end0:
.L_simem_size_0:
called_computation.2_lowered:
.L_overlay_start_0:
0x88: {  	s2 =	sld [smem:$0x3FD9]  }
0x89: {  	s3 =	sld [smem:$0x3FFE];
	_ =	sdelay $0x1  }
0x8a: {  	s1 =	srdreg.scid  }
0x8b: {  	s0 =	sand.u32 $0x1, s1  }
0x8c: {  	s17 =	sshll.u32 s0, $0xA;
	s2 =	sadd.s32 s3, s2  }
0x8d: {  	s2 =	sadd.s32 s2, s17  }
0x8e: {  	[smem:$0x3FC2] =	sst s2  }
0x8f: {  	_ = 	snop  }
0x90: {  	s2 =	sld [smem:$0x3FD0];
	(tm) =	ssettm $0x1  }
0x91: {  	s18 =	sld [smem:$0x3FFB];
	_ =	sdelay $0x3  }
0x92: {  	_ =	strace s18  }
0x93: {  	s3 =	sld [smem:$0x3FFC];
	_ =	sdelay $0x3  }
0x94: {  	_ =	strace s3  }
0x95: {  	s3 =	sld [smem:$0x3FFD];
	_ =	sdelay $0x3  }
0x96: {  	_ =	strace s3  }
0x97: {  	_ =	strace $0x8FFFFFFF  }
0x98: {  	s19 =	sld [smem:$0x3FDB];
	_ =	sdelay $0x1  }
0x99: {  	s4 =	simm.s32 $_scs_section_size  }
0x9a: {  	s5 =	simm.s32 $_size__tile_overlayer_lowered;
	s6 =	simm.s32 $_tile_overlayer_lowered  }
0x9b: {  	s22 =	simm.s32 $0x1BFF;
	s21 =	sshll.u32 s6, $0x1;
	s3 =	sadd.s32 s4, s19  }
0x9c: {  	s7 =	simm.s32 $0x0;
	s20 =	sshll.u32 s5, $0x1;
	s5 =	sadd.s32 s21, s3  }
0x9d: {  	[timem:s7], [sflag:s22] =	dma.local [hbm:s5], s20  }
0x9e: {  	_ =	swait.ge [sflag:s22], s20  }
0x9f: {  	s4 =	ssub.s32 $0x0, s20;
	[sflag:s22] =	ssyncset.done $0x0  }
0xa0: {  	[sflag:s22] =	ssyncadd.s32 s4;
	_ =	sdelay $0x1  }
0xa1: {  	s23 =	simm.s32 $0x1B8B  }
0xa2: {  	_ =	swait.ge [sflag:s23], $0x1  }
0xa3: {  	[sflag:s23] =	ssyncset.done $0x0  }
0xa4: {  	s25 =	simm.s32 $0x1B8E;
	s24 =	sld [smem:$0x3FFE];
	[sflag:s23] =	ssyncadd.s32 $0xFFFFFFFF  }
0xa5: {  	s26 =	simm.s32 $execute0_lowered;
	[smem:$0x3FD2] =	sst s25  }
0xa6: {  	s5 =	sshll.u32 s26, $0x1;
	_ =	strace $0x8000004C;
	[dreg:$0x1] =	wrdreg $0xFFFFFFFF  }
0xa7: {  	s28 =	simm.s32 $_size_execute0_lowered;
	s3 =	sadd.s32 s3, s5;
	[dreg:$0x0] =	wrdreg $0x0  }
0xa8: {  	s5 =	sshll.u32 s28, $0x1;
	[dreg:$0x2] =	wrdreg s3  }
0xa9: {  	[dreg:$0x3] =	wrdreg s5  }
0xaa: {  	[dreg:$0x4] =	wrdreg $0xC0  }
0xab: {  	_ =	task [dreg:s7], $0x5FFFF  }
0xac: {  	[dreg:$0x1] =	wrdreg $0xFFFFFFFF  }
0xad: {  	[dreg:$0x0] =	wrdreg $0x60  }
0xae: {  	[dreg:$0x2] =	wrdreg s2  }
0xaf: {  	[dreg:$0x3] =	wrdreg s24  }
0xb0: {  	[dreg:$0x4] =	wrdreg $0xC0000  }
0xb1: {  	[dreg:$0x5] =	wrdreg $0x70000  }
0xb2: {  	[dreg:$0x6] =	wrdreg $0x9  }
0xb3: {  	_ =	task.clear_ibuf [dreg:s7], $0x7FFFF;
	_ =	strace $0x9000004C  }
0xb4: {  	s29 =	simm.s32 $0x9;
	_ =	strace $0x8000004E  }
0xb5: {  	_ =	swait.ge [sflag:s29], $0x1  }
0xb6: {  	[sflag:s29] =	ssyncadd.s32 $0xFFFFFFFF  }
0xb7: {  	_ =	strace $0x9000004E  }
0xb8: {  	_ =	sfence  }
0xb9: {  	s30 =	sld [smem:$0x0];
	_ =	sdelay $0x2  }
0xba: {  	s31 =	sshll.u32 s1, $0xD;
	s1 =	sshrl.u32 s1, $0x2  }
0xbb: {  	s3 =	sand.u32 $0x4000, s31;
	s1 =	sadd.s32 s1, s30  }
0xbc: {  	s0 =	sor.u32 s3, s0;
	s1 =	sshll.u32 s1, $0x11  }
0xbd: {  	s0 =	sor.u32 s1, s0  }
0xbe: {  	s0 =	sadd.s32 $0x8F2B, s0  }
0xbf: {  	[sflag:s0] =	ssyncadd.remote.s32 $0x1  }
0xc0: {  	_ =	sfence.sel $0xFFFF  }
0xc1: {  	[dreg:$0x0] =	wrdreg $0xFFFFFFFF;
	(pc) =	sbr.abs _section_cstart, $3  }
0xc2: {  	[dreg:$0x1] =	wrdreg $0xFFFFFFFF  }
0xc3: {  	_ =	task.clear_ibuf [dreg:s7], $0x2FFFF;
	_ =	strace $0x9FFFFFFF  }
0xc4: {  	(tm) =	ssettm $0x7FFFFFFF  }
0xc5: {  	_ =	shalt  }
tec
execute0_lowered:
.L_overlay_start_1:
0x0: {  	(tag) =	ssettag $0x1  }
0x1: {  	s0 =	rddreg [dreg:$0x0]  }
0x2: {  	s1 =	rddreg [dreg:$0x1]  }
0x3: {  	s2 =	rddreg [dreg:$0x2];
	s4 =	srdreg.scid  }
0x4: {  	s3 =	rddreg [dreg:$0x3];
	s11 =	stileid.u32  }
0x5: {  	s18 =	simm.s32 $0x5;
	s20 =	simm.s32 $0x5000;
	s21 =	simm.s32 $0x2  }
0x6: {  	s22 =	simm.s32 $0x80;
	s23 =	simm.s32 $0x1;
	s28 =	simm.s32 $0x4  }
0x7: {  	s30 =	simm.s32 $0x2780;
	s31 =	simm.s32 $0x4F80;
	s7 =	smul.u32 $0xA000, s11  }
0x8: {  	s5 =	sand.u32 $0x1, s4;
	s4 =	simm.s32 $0x0;
	s25 =	smul.u32 $0x14000, s11  }
0x9: {  	s6 =	sshll.u32 s5, $0x4;
	s8 =	smul.u32 $0xA0000, s5;
	[smem:$0x7FF] =	sst s4  }
0xa: {  	s5 =	ssub.s32 $0x2, s5;
	s6 =	sor.u32 s11, s6;
	_ =	strace $0x8000004D  }
0xb: {  	s9 =	sshrl.u32 s5, $0x1;
	s13 =	sshrl.u32 s7, $0x1;
	s24 =	sshrl.u32 s7, $0x4  }
0xc: {  	s26 =	sshrl.u32 s25, $0x2;
	s6 =	smul.u32 $0x2800, s6;
	s8 =	sadd.s32 s7, s8  }
0xd: {  	s12 =	ssub.s32 s5, s9;
	s17 =	sadd.s32 s13, s2;
	s5 =	sadd.s32 s0, s24  }
0xe: {  	s29 =	sadd.s32 s13, s3;
	s24 =	simm.s32 $0x6000;
	s0 =	simm.s32 $0x0  }
0xf: {  	s8 =	sshrl.u32 s8, $0x4;
	s12 =	smax.u32 s12, $0x1;
	s6 =	sshrl.u32 s6, $0x3  }
0x10: {  	s17 =	sshrl.u32 s17, $0x3;
	s10 =	sadd.s32 s6, s1;
	s6 =	sshll.u32 s11, $0x6  }
0x11: {  	s25 =	sshrl.u32 s29, $0x3;
	s1 =	sadd.s32 s8, s1;
	s7 =	sor.u32 $0x1C02, s6  }
0x12: {  	s8 =	sadd.s32 $0x2200, s10;
	s9 =	sadd.s32 $0xC200, s10;
	s10 =	sadd.s32 s26, s3  }
0x13: {  	s11 =	sadd.s32 $0x16200, s1;
	s26 =	simm.s32 $0x3;
	s13 =	sadd.s32 $0x1000, s10  }
0x14: {  	v0 =	vimm.bf16 $0.0e+00;
	s14 =	sadd.s32 $0x2000, s10;
	s15 =	sadd.s32 $0x3000, s10;
	s16 =	sadd.s32 $0x4000, s10  }
.LBB2_1:
0x15: {  	[spmem:s17], [sflag:s7] =	dma.local [hbm:s5], $0xA00  }
0x16: {  	[tilespmem:s4], [sflag:$0x5] =	stream.linear.gather [hbm4b:s8+s4], $0x2800, $0x38;
	[tilespmem:$0x11000] =	vst v63  }
0x17: {  	_ =	swait.ge [sflag:s18], $0x2800  }
0x18: {  	[sflag:s18] =	ssyncset.done $0x0  }
0x19: {  	s1 =	simm.s32 $0x2800;
	[sflag:s18] =	ssyncadd.s32 $0xFFFFD800  }
0x1a: {  	[tilespmem:s1], [sflag:$0x5] =	stream.linear.gather [hbm4b:s9+s4], $0x2800, $0x38;
	[tilespmem:$0x11000] =	vst v63  }
0x1b: {  	_ =	swait.ge [sflag:s18], $0x2800  }
0x1c: {  	[sflag:s18] =	ssyncset.done $0x0  }
0x1d: {  	s19 =	simm.s32 $0x0;
	s1 =	simm.s32 $0x80;
	[sflag:s18] =	ssyncadd.s32 $0xFFFFD800  }
.LBB2_2:
0x1e: {  	p0 =	sne.s32 s1, $0x3F80;
	[tilespmem:s19+$0x5000] =	vst v0;
	s29 =	smov.u32 s1;
	s1 =	sadd.s32 $0x80, s1  }
.Ltmp0:
0x1f: {  	[tilespmem:s19+$0x5010] =	vst v0;
	(pc) =	sbr.rel @p0 .LBB2_2-.Ltmp0, $2  }
0x20: {  	_ =	sdelay $0x2  }
0x21: {  	s19 =	sshra.s32 s29, $0x2  }
0x22: {  	[tilespmem:s19+$0x5000] =	vst v0  }
0x23: {  	[tilespmem:s19+$0x5010] =	vst v0  }
0x24: {  	[spmem:s10] =	stream.linear.scatter [tilespmem:s20], [sflag:$0x5], $0x1000, $0x38;
	[tilespmem:$0x11000] =	vst v63  }
0x25: {  	_ =	swait.ge [sflag:s18], $0x1000  }
0x26: {  	[sflag:s18] =	ssyncset.done $0x0  }
0x27: {  	[sflag:s18] =	ssyncadd.s32 $0xFFFFF000  }
0x28: {  	[spmem:s13] =	stream.linear.scatter [tilespmem:s20], [sflag:$0x5], $0x1000, $0x38;
	[tilespmem:$0x11000] =	vst v63  }
0x29: {  	_ =	swait.ge [sflag:s18], $0x1000  }
0x2a: {  	[sflag:s18] =	ssyncset.done $0x0  }
0x2b: {  	[sflag:s18] =	ssyncadd.s32 $0xFFFFF000  }
0x2c: {  	[spmem:s14] =	stream.linear.scatter [tilespmem:s20], [sflag:$0x5], $0x1000, $0x38;
	[tilespmem:$0x11000] =	vst v63  }
0x2d: {  	_ =	swait.ge [sflag:s18], $0x1000  }
0x2e: {  	[sflag:s18] =	ssyncset.done $0x0  }
0x2f: {  	[sflag:s18] =	ssyncadd.s32 $0xFFFFF000  }
0x30: {  	[spmem:s15] =	stream.linear.scatter [tilespmem:s20], [sflag:$0x5], $0x1000, $0x38;
	[tilespmem:$0x11000] =	vst v63  }
0x31: {  	_ =	swait.ge [sflag:s18], $0x1000  }
0x32: {  	[sflag:s18] =	ssyncset.done $0x0  }
0x33: {  	[sflag:s18] =	ssyncadd.s32 $0xFFFFF000  }
0x34: {  	[spmem:s16] =	stream.linear.scatter [tilespmem:s20], [sflag:$0x5], $0x1000, $0x38;
	[tilespmem:$0x11000] =	vst v63  }
0x35: {  	_ =	swait.ge [sflag:s18], $0x1000  }
0x36: {  	[sflag:s18] =	ssyncset.done $0x0  }
0x37: {  	[sflag:s18] =	ssyncadd.s32 $0xFFFFF000  }
0x38: {  	_ =	swait.ge [sflag:s21], $0xA00  }
0x39: {  	[sflag:s21] =	ssyncset.done $0x0  }
0x3a: {  	[sflag:s21] =	ssyncadd.s32 $0xFFFFF600  }
0x3b: {  	s1 =	simm.s32 $0x0;
	[bflag:$0x0] =	sbarrier.arrive $0xFFFF  }
0x3c: {  	[tilespmem:s20], [sflag:$0x1] =	stream.indirect.gather [spmem:s2], $0x20, s1, s22, $0xb8;
	[tilespmem:$0x11000] =	vst v63  }
0x3d: {  	_ =	swait.ge [sflag:s23], $0x1000  }
0x3e: {  	[sflag:s23] =	ssyncset.done $0x0  }
0x3f: {  	s19 =	simm.s32 $0x2800;
	[sflag:s23] =	ssyncadd.s32 $0xFFFFF000  }
0x40: {  	[spmem:s3] =	stream.indirect.scatter.add.bf16 [tilespmem:s20], [sflag:$0x3], $0x20, s19, s22, $0xb8;
	[tilespmem:$0x11000] =	vst v63  }
0x41: {  	s29 =	simm.s32 $0x80  }
0x42: {  	[tilespmem:s24], [sflag:$0x2] =	stream.indirect.gather [spmem:s2], $0x20, s29, s22, $0xb8;
	[tilespmem:$0x11000] =	vst v63  }
0x43: {  	_ =	swait.ge [sflag:s26], $0x1000  }
0x44: {  	[sflag:s26] =	ssyncset.done $0x0  }
0x45: {  	[sflag:s26] =	ssyncadd.s32 $0xFFFFF000  }
0x46: {  	_ =	swait.ge [sflag:s21], $0x1000  }
0x47: {  	[sflag:s21] =	ssyncset.done $0x0  }
0x48: {  	s19 =	simm.s32 $0x2880;
	[sflag:s21] =	ssyncadd.s32 $0xFFFFF000  }
0x49: {  	[spmem:s3] =	stream.indirect.scatter.add.bf16 [tilespmem:s24], [sflag:$0x4], $0x20, s19, s22, $0xb8;
	[tilespmem:$0x11000] =	vst v63  }
0x4a: {  	s29 =	simm.s32 $0x100  }
0x4b: {  	[tilespmem:s20], [sflag:$0x1] =	stream.indirect.gather [spmem:s2], $0x20, s29, s22, $0xb8;
	[tilespmem:$0x11000] =	vst v63  }
0x4c: {  	_ =	swait.ge [sflag:s28], $0x1000  }
0x4d: {  	s1 =	simm.s32 $0x400;
	[sflag:s28] =	ssyncset.done $0x0  }
.LBB2_4:
0x4e: {  	p0 =	sne.s32 s1, $0x9800  }
0x4f: {  	[sflag:s28] =	ssyncadd.s32 $0xFFFFF000;
	s19 =	smov.u32 s1;
	s1 =	sadd.s32 $0x400, s1  }
0x50: {  	_ = 	snop  }
0x51: {  	_ =	swait.ge [sflag:s23], $0x1000  }
0x52: {  	s19 =	sshra.s32 s19, $0x2;
	[sflag:s23] =	ssyncset.done $0x0  }
0x53: {  	s29 =	sadd.s32 $0x2800, s19;
	[sflag:s23] =	ssyncadd.s32 $0xFFFFF000  }
0x54: {  	[spmem:s3] =	stream.indirect.scatter.add.bf16 [tilespmem:s20], [sflag:$0x3], $0x20, s29, s22, $0xb8;
	[tilespmem:$0x11000] =	vst v63  }
0x55: {  	s29 =	sadd.s32 $0x80, s19  }
0x56: {  	[tilespmem:s24], [sflag:$0x2] =	stream.indirect.gather [spmem:s2], $0x20, s29, s22, $0xb8;
	[tilespmem:$0x11000] =	vst v63  }
0x57: {  	_ =	swait.ge [sflag:s26], $0x1000  }
0x58: {  	[sflag:s26] =	ssyncset.done $0x0  }
0x59: {  	[sflag:s26] =	ssyncadd.s32 $0xFFFFF000  }
0x5a: {  	_ =	swait.ge [sflag:s21], $0x1000  }
0x5b: {  	[sflag:s21] =	ssyncset.done $0x0  }
0x5c: {  	s29 =	sadd.s32 $0x2880, s19;
	[sflag:s21] =	ssyncadd.s32 $0xFFFFF000  }
0x5d: {  	[spmem:s3] =	stream.indirect.scatter.add.bf16 [tilespmem:s24], [sflag:$0x4], $0x20, s29, s22, $0xb8;
	[tilespmem:$0x11000] =	vst v63  }
.Ltmp1:
0x5e: {  	_ = 	snop;
	(pc) =	sbr.rel @p0 .LBB2_4-.Ltmp1, $4  }
0x5f: {  	s19 =	sadd.s32 $0x100, s19  }
0x60: {  	[tilespmem:s20], [sflag:$0x1] =	stream.indirect.gather [spmem:s2], $0x20, s19, s22, $0xb8;
	[tilespmem:$0x11000] =	vst v63  }
0x61: {  	_ =	swait.ge [sflag:s28], $0x1000  }
0x62: {  	[sflag:s28] =	ssyncset.done $0x0  }
0x63: {  	[sflag:s28] =	ssyncadd.s32 $0xFFFFF000  }
0x64: {  	_ =	swait.ge [sflag:s23], $0x1000  }
0x65: {  	[sflag:s23] =	ssyncset.done $0x0  }
0x66: {  	s1 =	simm.s32 $0x4F00;
	[sflag:s23] =	ssyncadd.s32 $0xFFFFF000  }
0x67: {  	[spmem:s3] =	stream.indirect.scatter.add.bf16 [tilespmem:s20], [sflag:$0x3], $0x20, s1, s22, $0xb8;
	[tilespmem:$0x11000] =	vst v63  }
0x68: {  	_ = 	snop  }
0x69: {  	[tilespmem:s24], [sflag:$0x2] =	stream.indirect.gather [spmem:s2], $0x20, s30, s22, $0xb8;
	[tilespmem:$0x11000] =	vst v63  }
0x6a: {  	_ =	swait.ge [sflag:s26], $0x1000  }
0x6b: {  	[sflag:s26] =	ssyncset.done $0x0  }
0x6c: {  	[sflag:s26] =	ssyncadd.s32 $0xFFFFF000  }
0x6d: {  	_ =	swait.ge [sflag:s21], $0x1000  }
0x6e: {  	[sflag:s21] =	ssyncset.done $0x0  }
0x6f: {  	[sflag:s21] =	ssyncadd.s32 $0xFFFFF000  }
0x70: {  	[spmem:s3] =	stream.indirect.scatter.add.bf16 [tilespmem:s24], [sflag:$0x4], $0x20, s31, s22, $0xb8;
	[tilespmem:$0x11000] =	vst v63  }
0x71: {  	_ =	swait.ge [sflag:s28], $0x1000  }
0x72: {  	s0 =	sadd.s32 $0x1, s0;
	[sflag:s28] =	ssyncset.done $0x0  }
0x73: {  	p0 =	sne.s32 s0, s12;
	[sflag:s28] =	ssyncadd.s32 $0xFFFFF000  }
.Ltmp2:
0x74: {  	s29 =	sor.u32 $0x1C05, s6;
	[bflag:$0x0] =	sbarrier.arrive $0xFFFF;
	(pc) =	sbr.rel @p0 .LBB2_1-.Ltmp2, $4  }
0x75: {  	[hbm:s11], [sflag:s29] =	dma.local [spmem:s25], $0xA00  }
0x76: {  	_ =	swait.ge [sflag:s18], $0xA00  }
0x77: {  	[sflag:s18] =	ssyncset.done $0x0  }
0x78: {  	[sflag:s18] =	ssyncadd.s32 $0xFFFFF600  }
0x79: {  	_ =	sfence.sel $0x180000  }
0x7a: {  	[bflag:$0x0] =	sbarrier.arrive $0xFFFF  }
0x7b: {  	_ =	strace $0x9000004D  }
0x7c: {  	s0 =	stileid.u32;
	[bflag:$0x2] =	sbarrier.arrive $0xFFFF  }
0x7d: {  	p0 =	sne.s32 s0, $0x0;
	s0 =	rddreg [dreg:$0x4]  }
0x7e: {  	s0 =	sadd.s32 @!p0 $0x100000, s0  }
0x7f: {  	[sflag:s0] =	ssyncadd.tile.s32 @!p0 $0x1;
	_ =	shalt  }
.Lfunc_end2:
_tile_overlayer_lowered:
.L_overlay_start_2:
0x80: {  	(tag) =	ssettag $0x2  }
0x81: {  	s0 =	rddreg [dreg:$0x0];
	s2 =	stileid.u32  }
0x82: {  	s1 =	rddreg [dreg:$0x1];
	p0 =	sne.s32 s2, $0x0  }
0x83: {  	s3 =	rddreg [dreg:$0x2];
	[bflag:$0x3] =	sbarrier.arrive $0xFFFF;
	s2 =	simm.s32 @!p0 $0x1C05  }
0x84: {  	[timem:s3], [sflag:s2] =	dma.local @!p0 [hbm:s0], s1  }
0x85: {  	s0 =	simm.s32 @!p0 $0x5  }
0x86: {  	_ =	swait.ge @!p0 [sflag:s0], s1  }
0x87: {  	s1 =	ssub.s32 @!p0 $0x0, s1;
	[sflag:s0] =	ssyncset.done @!p0 $0x0  }
0x88: {  	[sflag:s0] =	ssyncadd.s32 @!p0 s1  }
0x89: {  	[bflag:$0x3] =	sbarrier.arrive $0xFFFF  }
0x8a: {  	_ =	shalt  }

</sc_bundles>
